<compile_context>
chip_gen: v7x
topology: tpu7x:2x2x1
jax: 0.10.2.dev20260603
libtpu: 0.0.44.dev20260713+nightly
codegen_flags: <defaults>
</compile_context>

<pallas_src>
import functools

import jax
import jax.numpy as jnp
from jax import lax
from jax.experimental import pallas as pl
from jax.experimental.pallas import tpu as pltpu
from jax.experimental.pallas import tpu_sc as plsc

_B, _F, _K, _D = 16384, 100, 50, 64
_NW = 32
_LANES = _B // _NW
_HALF = _D // 2
_NCHUNK = 2 * _K
_NBUF = 6


def _make_sc_kernel():
    mesh = plsc.VectorSubcoreMesh(core_axis_name="c", subcore_axis_name="s")

    @functools.partial(
        pl.kernel,
        mesh=mesh,
        out_type=jax.ShapeDtypeStruct((_K, _D, _B), jnp.float32),
        scratch_types=[
            pltpu.VMEM((_NBUF, _HALF, _LANES), jnp.float32),
            [pltpu.SemaphoreType.DMA] * _NBUF,
            [pltpu.SemaphoreType.DMA] * _NBUF,
        ],
    )
    def sc_copy(in_hbm, out_hbm, buf, rsem, wsem):
        wid = lax.axis_index("s") * 2 + lax.axis_index("c")
        lane0 = wid * _LANES

        def start_read(k, slot):
            pltpu.async_copy(
                in_hbm.at[2 * (k // 2), pl.ds((k % 2) * _HALF, _HALF),
                          pl.ds(lane0, _LANES)],
                buf.at[slot], rsem[slot])

        def start_write(k, slot):
            pltpu.async_copy(
                buf.at[slot],
                out_hbm.at[k // 2, pl.ds((k % 2) * _HALF, _HALF),
                           pl.ds(lane0, _LANES)],
                wsem[slot])

        def wait_read(slot):
            pltpu.make_async_copy(
                in_hbm.at[0, pl.ds(0, _HALF), pl.ds(lane0, _LANES)],
                buf.at[slot], rsem[slot]).wait()

        def wait_write(slot):
            pltpu.make_async_copy(
                buf.at[slot],
                out_hbm.at[0, pl.ds(0, _HALF), pl.ds(lane0, _LANES)],
                wsem[slot]).wait()

        def body(k, slot, nslot, with_ww=True, with_read=True):
            wait_read(slot)
            if with_ww:
                wait_write(nslot)
            start_write(k, slot)
            if with_read:
                start_read(k + 2, nslot)

        start_read(0, 0)
        start_read(1, 1)
        for k in range(0, 8):
            body(k, k % _NBUF, (k + 2) % _NBUF, with_ww=(k >= 4))

        @pl.loop(8, _NCHUNK - 2, step=_NBUF)
        def _(k0):
            for b in range(_NBUF):
                body(k0 + b, (2 + b) % _NBUF, (4 + b) % _NBUF)

        for k in (_NCHUNK - 2, _NCHUNK - 1):
            body(k, k % _NBUF, (k + 2) % _NBUF, with_read=False)
        for k in range(_NCHUNK - 4, _NCHUNK):
            wait_write(k % _NBUF)

    return sc_copy


_SC_KERNEL = _make_sc_kernel()


def kernel(tensor):
    x_t = jnp.transpose(tensor, (1, 2, 0))
    out_t = _SC_KERNEL(x_t)
    return jnp.transpose(out_t, (2, 0, 1))

# --- scband reference (transcript-rebuilt; emitter-appended) ---
"""Pipeline reference for scband-drop-features-layer-53815940218888 (READ-ONLY COPY).

The authoritative reference and input builder live on the scoring server;
editing this copy changes nothing except your own understanding.
"""

import jax, jax.numpy as jnp
import numpy as np

KEEP_FEATURES_IDS = list(range(0, 100, 2))  # 50 kept fields, matches init_kwargs


def setup_inputs(seed: int = 0) -> dict:
    key = jax.random.key(seed)
    tensor = jax.random.normal(key, (16384, 100, 64), dtype=jnp.float32)
    return {"tensor": tensor}


def reference(tensor):
    # Faithful translation of: tensor[:, self.keep_features_ids, :]
    keep = jnp.asarray(KEEP_FEATURES_IDS, dtype=jnp.int32)
    return jnp.take(tensor, keep, axis=1)

if __name__ == "__main__":
    import jax
    _d = setup_inputs()
    print(jax.jit(kernel)(*tuple(_d.values())))

</pallas_src>

<mosaic_0001>
#map = affine_map<(d0, d1) -> (0, 0, 0)>
module attributes {stable_mosaic.version = 14 : i64} {
  func.func @sc_copy(%arg0: i32, %arg1: i32, %arg2: memref<100x64x16384xf32, #tpu.memory_space<hbm>>, %arg3: memref<50x64x16384xf32, #tpu.memory_space<hbm>>, %arg4: memref<6x32x512xf32, #tpu.memory_space<vmem>>, %arg5: memref<!tpu.dma_semaphore, #tpu.memory_space<semaphore_mem>>, %arg6: memref<!tpu.dma_semaphore, #tpu.memory_space<semaphore_mem>>, %arg7: memref<!tpu.dma_semaphore, #tpu.memory_space<semaphore_mem>>, %arg8: memref<!tpu.dma_semaphore, #tpu.memory_space<semaphore_mem>>, %arg9: memref<!tpu.dma_semaphore, #tpu.memory_space<semaphore_mem>>, %arg10: memref<!tpu.dma_semaphore, #tpu.memory_space<semaphore_mem>>, %arg11: memref<!tpu.dma_semaphore, #tpu.memory_space<semaphore_mem>>, %arg12: memref<!tpu.dma_semaphore, #tpu.memory_space<semaphore_mem>>, %arg13: memref<!tpu.dma_semaphore, #tpu.memory_space<semaphore_mem>>, %arg14: memref<!tpu.dma_semaphore, #tpu.memory_space<semaphore_mem>>, %arg15: memref<!tpu.dma_semaphore, #tpu.memory_space<semaphore_mem>>, %arg16: memref<!tpu.dma_semaphore, #tpu.memory_space<semaphore_mem>>) attributes {dimension_semantics = [#tpu.dimension_semantics<core_parallel>, #tpu.dimension_semantics<subcore_parallel>], iteration_bounds = array<i64: 2, 16>, scalar_prefetch = 0 : i64, scratch_operands = 13 : i64, tpu.core_type = #tpu.core_type<sc_vector_subcore>, window_params = [{transform_indices = #map}, {transform_indices = #map}]} {
    %mul3A = arith.constant 2 : i32
    %mul3A_0 = arith.muli %arg1, %mul3A : i32
    %add3A = arith.addi %mul3A_0, %arg0 : i32
    %mul3A_1 = arith.constant 512 : i32
    %mul3A_2 = arith.muli %add3A, %mul3A_1 : i32
    %dma_start3A = arith.constant 0 : i32
    %dma_start3A_3 = arith.constant 0 : i32
    %dma_start3A_4 = arith.constant 0 : i32
    %dma_start3A_5 = arith.constant 0 : i32
    %dma_start3A_6 = tpu.memref_slice %arg4[%dma_start3A_3, %dma_start3A_4, %dma_start3A_5] : memref<6x32x512xf32, #tpu.memory_space<vmem>> -> memref<1x32x512xf32, #tpu.memory_space<vmem>>
    %dma_start3A_7 = tpu.memref_squeeze %dma_start3A_6 : memref<1x32x512xf32, #tpu.memory_space<vmem>> -> memref<32x512xf32, #tpu.memory_space<vmem>>
    %dma_start3A_8 = arith.constant 0 : i32
    %dma_start3A_9 = tpu.memref_slice %arg2[%dma_start3A, %dma_start3A_8, %mul3A_2] : memref<100x64x16384xf32, #tpu.memory_space<hbm>> -> memref<1x32x512xf32, #tpu.memory_space<hbm>>
    %dma_start3A_10 = tpu.memref_squeeze %dma_start3A_9 : memref<1x32x512xf32, #tpu.memory_space<hbm>> -> memref<32x512xf32, #tpu.memory_space<hbm>>
    %dma_start3A_11 = arith.constant 0 : i32
    %dma_start3A_12 = arith.constant 0 : i32
    %dma_start3A_13 = tpu.memref_slice %arg4[%dma_start3A_3, %dma_start3A_11, %dma_start3A_12] : memref<6x32x512xf32, #tpu.memory_space<vmem>> -> memref<1x32x512xf32, #tpu.memory_space<vmem>>
    %dma_start3A_14 = tpu.memref_squeeze %dma_start3A_13 : memref<1x32x512xf32, #tpu.memory_space<vmem>> -> memref<32x512xf32, #tpu.memory_space<vmem>>
    %dma_start3A_15 = arith.constant 0 : i32
    %dma_start3A_16 = tpu.memref_slice %arg2[%dma_start3A, %dma_start3A_15, %mul3A_2] : memref<100x64x16384xf32, #tpu.memory_space<hbm>> -> memref<1x32x512xf32, #tpu.memory_space<hbm>>
    %dma_start3A_17 = tpu.memref_squeeze %dma_start3A_16 : memref<1x32x512xf32, #tpu.memory_space<hbm>> -> memref<32x512xf32, #tpu.memory_space<hbm>>
    tpu.enqueue_dma source(%dma_start3A_17 : memref<32x512xf32, #tpu.memory_space<hbm>>) target(%dma_start3A_14 : memref<32x512xf32, #tpu.memory_space<vmem>>) target_semaphore(%arg5 : memref<!tpu.dma_semaphore, #tpu.memory_space<semaphore_mem>>)
    %dma_start3A_18 = arith.constant 0 : i32
    %dma_start3A_19 = arith.constant 1 : i32
    %dma_start3A_20 = arith.constant 0 : i32
    %dma_start3A_21 = arith.constant 0 : i32
    %dma_start3A_22 = tpu.memref_slice %arg4[%dma_start3A_19, %dma_start3A_20, %dma_start3A_21] : memref<6x32x512xf32, #tpu.memory_space<vmem>> -> memref<1x32x512xf32, #tpu.memory_space<vmem>>
    %dma_start3A_23 = tpu.memref_squeeze %dma_start3A_22 : memref<1x32x512xf32, #tpu.memory_space<vmem>> -> memref<32x512xf32, #tpu.memory_space<vmem>>
    %dma_start3A_24 = arith.constant 32 : i32
    %dma_start3A_25 = tpu.memref_slice %arg2[%dma_start3A_18, %dma_start3A_24, %mul3A_2] : memref<100x64x16384xf32, #tpu.memory_space<hbm>> -> memref<1x32x512xf32, #tpu.memory_space<hbm>>
    %dma_start3A_26 = tpu.memref_squeeze %dma_start3A_25 : memref<1x32x512xf32, #tpu.memory_space<hbm>> -> memref<32x512xf32, #tpu.memory_space<hbm>>
    %dma_start3A_27 = arith.constant 0 : i32
    %dma_start3A_28 = arith.constant 0 : i32
    %dma_start3A_29 = tpu.memref_slice %arg4[%dma_start3A_19, %dma_start3A_27, %dma_start3A_28] : memref<6x32x512xf32, #tpu.memory_space<vmem>> -> memref<1x32x512xf32, #tpu.memory_space<vmem>>
    %dma_start3A_30 = tpu.memref_squeeze %dma_start3A_29 : memref<1x32x512xf32, #tpu.memory_space<vmem>> -> memref<32x512xf32, #tpu.memory_space<vmem>>
    %dma_start3A_31 = arith.constant 32 : i32
    %dma_start3A_32 = tpu.memref_slice %arg2[%dma_start3A_18, %dma_start3A_31, %mul3A_2] : memref<100x64x16384xf32, #tpu.memory_space<hbm>> -> memref<1x32x512xf32, #tpu.memory_space<hbm>>
    %dma_start3A_33 = tpu.memref_squeeze %dma_start3A_32 : memref<1x32x512xf32, #tpu.memory_space<hbm>> -> memref<32x512xf32, #tpu.memory_space<hbm>>
    tpu.enqueue_dma source(%dma_start3A_33 : memref<32x512xf32, #tpu.memory_space<hbm>>) target(%dma_start3A_30 : memref<32x512xf32, #tpu.memory_space<vmem>>) target_semaphore(%arg6 : memref<!tpu.dma_semaphore, #tpu.memory_space<semaphore_mem>>)
    %dma_wait3A = arith.constant 0 : i32
    %dma_wait3A_34 = arith.constant 0 : i32
    %dma_wait3A_35 = arith.constant 0 : i32
    %dma_wait3A_36 = arith.constant 0 : i32
    %dma_wait3A_37 = tpu.memref_slice %arg4[%dma_wait3A_34, %dma_wait3A_35, %dma_wait3A_36] : memref<6x32x512xf32, #tpu.memory_space<vmem>> -> memref<1x32x512xf32, #tpu.memory_space<vmem>>
    %dma_wait3A_38 = tpu.memref_squeeze %dma_wait3A_37 : memref<1x32x512xf32, #tpu.memory_space<vmem>> -> memref<32x512xf32, #tpu.memory_space<vmem>>
    %dma_wait3A_39 = arith.constant 0 : i32
    %dma_wait3A_40 = tpu.memref_slice %arg2[%dma_wait3A, %dma_wait3A_39, %mul3A_2] : memref<100x64x16384xf32, #tpu.memory_space<hbm>> -> memref<1x32x512xf32, #tpu.memory_space<hbm>>
    %dma_wait3A_41 = tpu.memref_squeeze %dma_wait3A_40 : memref<1x32x512xf32, #tpu.memory_space<hbm>> -> memref<32x512xf32, #tpu.memory_space<hbm>>
    %dma_wait3A_42 = arith.constant 0 : i32
    %dma_wait3A_43 = arith.constant 0 : i32
    %dma_wait3A_44 = tpu.memref_slice %arg4[%dma_wait3A_34, %dma_wait3A_42, %dma_wait3A_43] : memref<6x32x512xf32, #tpu.memory_space<vmem>> -> memref<1x32x512xf32, #tpu.memory_space<vmem>>
    %dma_wait3A_45 = tpu.memref_squeeze %dma_wait3A_44 : memref<1x32x512xf32, #tpu.memory_space<vmem>> -> memref<32x512xf32, #tpu.memory_space<vmem>>
    %dma_wait3A_46 = arith.constant 0 : i32
    %dma_wait3A_47 = tpu.memref_slice %arg2[%dma_wait3A, %dma_wait3A_46, %mul3A_2] : memref<100x64x16384xf32, #tpu.memory_space<hbm>> -> memref<1x32x512xf32, #tpu.memory_space<hbm>>
    %dma_wait3A_48 = tpu.memref_squeeze %dma_wait3A_47 : memref<1x32x512xf32, #tpu.memory_space<hbm>> -> memref<32x512xf32, #tpu.memory_space<hbm>>
    tpu.wait_dma2 semaphore(%arg5 : memref<!tpu.dma_semaphore, #tpu.memory_space<semaphore_mem>>) src(%dma_wait3A_48 : memref<32x512xf32, #tpu.memory_space<hbm>>) dst(%dma_wait3A_45 : memref<32x512xf32, #tpu.memory_space<vmem>>)
    %dma_start3A_49 = arith.constant 0 : i32
    %dma_start3A_50 = arith.constant 0 : i32
    %dma_start3A_51 = arith.constant 0 : i32
    %dma_start3A_52 = arith.constant 0 : i32
    %dma_start3A_53 = tpu.memref_slice %arg4[%dma_start3A_49, %dma_start3A_51, %dma_start3A_52] : memref<6x32x512xf32, #tpu.memory_space<vmem>> -> memref<1x32x512xf32, #tpu.memory_space<vmem>>
    %dma_start3A_54 = tpu.memref_squeeze %dma_start3A_53 : memref<1x32x512xf32, #tpu.memory_space<vmem>> -> memref<32x512xf32, #tpu.memory_space<vmem>>
    %dma_start3A_55 = arith.constant 0 : i32
    %dma_start3A_56 = tpu.memref_slice %arg3[%dma_start3A_50, %dma_start3A_55, %mul3A_2] : memref<50x64x16384xf32, #tpu.memory_space<hbm>> -> memref<1x32x512xf32, #tpu.memory_space<hbm>>
    %dma_start3A_57 = tpu.memref_squeeze %dma_start3A_56 : memref<1x32x512xf32, #tpu.memory_space<hbm>> -> memref<32x512xf32, #tpu.memory_space<hbm>>
    %dma_start3A_58 = arith.constant 0 : i32
    %dma_start3A_59 = tpu.memref_slice %arg3[%dma_start3A_50, %dma_start3A_58, %mul3A_2] : memref<50x64x16384xf32, #tpu.memory_space<hbm>> -> memref<1x32x512xf32, #tpu.memory_space<hbm>>
    %dma_start3A_60 = tpu.memref_squeeze %dma_start3A_59 : memref<1x32x512xf32, #tpu.memory_space<hbm>> -> memref<32x512xf32, #tpu.memory_space<hbm>>
    %dma_start3A_61 = arith.constant 0 : i32
    %dma_start3A_62 = arith.constant 0 : i32
    %dma_start3A_63 = tpu.memref_slice %arg4[%dma_start3A_49, %dma_start3A_61, %dma_start3A_62] : memref<6x32x512xf32, #tpu.memory_space<vmem>> -> memref<1x32x512xf32, #tpu.memory_space<vmem>>
    %dma_start3A_64 = tpu.memref_squeeze %dma_start3A_63 : memref<1x32x512xf32, #tpu.memory_space<vmem>> -> memref<32x512xf32, #tpu.memory_space<vmem>>
    tpu.enqueue_dma source(%dma_start3A_64 : memref<32x512xf32, #tpu.memory_space<vmem>>) target(%dma_start3A_60 : memref<32x512xf32, #tpu.memory_space<hbm>>) target_semaphore(%arg11 : memref<!tpu.dma_semaphore, #tpu.memory_space<semaphore_mem>>)
    %dma_start3A_65 = arith.constant 2 : i32
    %dma_start3A_66 = arith.constant 2 : i32
    %dma_start3A_67 = arith.constant 0 : i32
    %dma_start3A_68 = arith.constant 0 : i32
    %dma_start3A_69 = tpu.memref_slice %arg4[%dma_start3A_66, %dma_start3A_67, %dma_start3A_68] : memref<6x32x512xf32, #tpu.memory_space<vmem>> -> memref<1x32x512xf32, #tpu.memory_space<vmem>>
    %dma_start3A_70 = tpu.memref_squeeze %dma_start3A_69 : memref<1x32x512xf32, #tpu.memory_space<vmem>> -> memref<32x512xf32, #tpu.memory_space<vmem>>
    %dma_start3A_71 = arith.constant 0 : i32
    %dma_start3A_72 = tpu.memref_slice %arg2[%dma_start3A_65, %dma_start3A_71, %mul3A_2] : memref<100x64x16384xf32, #tpu.memory_space<hbm>> -> memref<1x32x512xf32, #tpu.memory_space<hbm>>
    %dma_start3A_73 = tpu.memref_squeeze %dma_start3A_72 : memref<1x32x512xf32, #tpu.memory_space<hbm>> -> memref<32x512xf32, #tpu.memory_space<hbm>>
    %dma_start3A_74 = arith.constant 0 : i32
    %dma_start3A_75 = arith.constant 0 : i32
    %dma_start3A_76 = tpu.memref_slice %arg4[%dma_start3A_66, %dma_start3A_74, %dma_start3A_75] : memref<6x32x512xf32, #tpu.memory_space<vmem>> -> memref<1x32x512xf32, #tpu.memory_space<vmem>>
    %dma_start3A_77 = tpu.memref_squeeze %dma_start3A_76 : memref<1x32x512xf32, #tpu.memory_space<vmem>> -> memref<32x512xf32, #tpu.memory_space<vmem>>
    %dma_start3A_78 = arith.constant 0 : i32
    %dma_start3A_79 = tpu.memref_slice %arg2[%dma_start3A_65, %dma_start3A_78, %mul3A_2] : memref<100x64x16384xf32, #tpu.memory_space<hbm>> -> memref<1x32x512xf32, #tpu.memory_space<hbm>>
    %dma_start3A_80 = tpu.memref_squeeze %dma_start3A_79 : memref<1x32x512xf32, #tpu.memory_space<hbm>> -> memref<32x512xf32, #tpu.memory_space<hbm>>
    tpu.enqueue_dma source(%dma_start3A_80 : memref<32x512xf32, #tpu.memory_space<hbm>>) target(%dma_start3A_77 : memref<32x512xf32, #tpu.memory_space<vmem>>) target_semaphore(%arg7 : memref<!tpu.dma_semaphore, #tpu.memory_space<semaphore_mem>>)
    %dma_wait3A_81 = arith.constant 0 : i32
    %dma_wait3A_82 = arith.constant 1 : i32
    %dma_wait3A_83 = arith.constant 0 : i32
    %dma_wait3A_84 = arith.constant 0 : i32
    %dma_wait3A_85 = tpu.memref_slice %arg4[%dma_wait3A_82, %dma_wait3A_83, %dma_wait3A_84] : memref<6x32x512xf32, #tpu.memory_space<vmem>> -> memref<1x32x512xf32, #tpu.memory_space<vmem>>
    %dma_wait3A_86 = tpu.memref_squeeze %dma_wait3A_85 : memref<1x32x512xf32, #tpu.memory_space<vmem>> -> memref<32x512xf32, #tpu.memory_space<vmem>>
    %dma_wait3A_87 = arith.constant 0 : i32
    %dma_wait3A_88 = tpu.memref_slice %arg2[%dma_wait3A_81, %dma_wait3A_87, %mul3A_2] : memref<100x64x16384xf32, #tpu.memory_space<hbm>> -> memref<1x32x512xf32, #tpu.memory_space<hbm>>
    %dma_wait3A_89 = tpu.memref_squeeze %dma_wait3A_88 : memref<1x32x512xf32, #tpu.memory_space<hbm>> -> memref<32x512xf32, #tpu.memory_space<hbm>>
    %dma_wait3A_90 = arith.constant 0 : i32
    %dma_wait3A_91 = arith.constant 0 : i32
    %dma_wait3A_92 = tpu.memref_slice %arg4[%dma_wait3A_82, %dma_wait3A_90, %dma_wait3A_91] : memref<6x32x512xf32, #tpu.memory_space<vmem>> -> memref<1x32x512xf32, #tpu.memory_space<vmem>>
    %dma_wait3A_93 = tpu.memref_squeeze %dma_wait3A_92 : memref<1x32x512xf32, #tpu.memory_space<vmem>> -> memref<32x512xf32, #tpu.memory_space<vmem>>
    %dma_wait3A_94 = arith.constant 0 : i32
    %dma_wait3A_95 = tpu.memref_slice %arg2[%dma_wait3A_81, %dma_wait3A_94, %mul3A_2] : memref<100x64x16384xf32, #tpu.memory_space<hbm>> -> memref<1x32x512xf32, #tpu.memory_space<hbm>>
    %dma_wait3A_96 = tpu.memref_squeeze %dma_wait3A_95 : memref<1x32x512xf32, #tpu.memory_space<hbm>> -> memref<32x512xf32, #tpu.memory_space<hbm>>
    tpu.wait_dma2 semaphore(%arg6 : memref<!tpu.dma_semaphore, #tpu.memory_space<semaphore_mem>>) src(%dma_wait3A_96 : memref<32x512xf32, #tpu.memory_space<hbm>>) dst(%dma_wait3A_93 : memref<32x512xf32, #tpu.memory_space<vmem>>)
    %dma_start3A_97 = arith.constant 1 : i32
    %dma_start3A_98 = arith.constant 0 : i32
    %dma_start3A_99 = arith.constant 0 : i32
    %dma_start3A_100 = arith.constant 0 : i32
    %dma_start3A_101 = tpu.memref_slice %arg4[%dma_start3A_97, %dma_start3A_99, %dma_start3A_100] : memref<6x32x512xf32, #tpu.memory_space<vmem>> -> memref<1x32x512xf32, #tpu.memory_space<vmem>>
    %dma_start3A_102 = tpu.memref_squeeze %dma_start3A_101 : memref<1x32x512xf32, #tpu.memory_space<vmem>> -> memref<32x512xf32, #tpu.memory_space<vmem>>
    %dma_start3A_103 = arith.constant 32 : i32
    %dma_start3A_104 = tpu.memref_slice %arg3[%dma_start3A_98, %dma_start3A_103, %mul3A_2] : memref<50x64x16384xf32, #tpu.memory_space<hbm>> -> memref<1x32x512xf32, #tpu.memory_space<hbm>>
    %dma_start3A_105 = tpu.memref_squeeze %dma_start3A_104 : memref<1x32x512xf32, #tpu.memory_space<hbm>> -> memref<32x512xf32, #tpu.memory_space<hbm>>
    %dma_start3A_106 = arith.constant 32 : i32
    %dma_start3A_107 = tpu.memref_slice %arg3[%dma_start3A_98, %dma_start3A_106, %mul3A_2] : memref<50x64x16384xf32, #tpu.memory_space<hbm>> -> memref<1x32x512xf32, #tpu.memory_space<hbm>>
    %dma_start3A_108 = tpu.memref_squeeze %dma_start3A_107 : memref<1x32x512xf32, #tpu.memory_space<hbm>> -> memref<32x512xf32, #tpu.memory_space<hbm>>
    %dma_start3A_109 = arith.constant 0 : i32
    %dma_start3A_110 = arith.constant 0 : i32
    %dma_start3A_111 = tpu.memref_slice %arg4[%dma_start3A_97, %dma_start3A_109, %dma_start3A_110] : memref<6x32x512xf32, #tpu.memory_space<vmem>> -> memref<1x32x512xf32, #tpu.memory_space<vmem>>
    %dma_start3A_112 = tpu.memref_squeeze %dma_start3A_111 : memref<1x32x512xf32, #tpu.memory_space<vmem>> -> memref<32x512xf32, #tpu.memory_space<vmem>>
    tpu.enqueue_dma source(%dma_start3A_112 : memref<32x512xf32, #tpu.memory_space<vmem>>) target(%dma_start3A_108 : memref<32x512xf32, #tpu.memory_space<hbm>>) target_semaphore(%arg12 : memref<!tpu.dma_semaphore, #tpu.memory_space<semaphore_mem>>)
    %dma_start3A_113 = arith.constant 2 : i32
    %dma_start3A_114 = arith.constant 3 : i32
    %dma_start3A_115 = arith.constant 0 : i32
    %dma_start3A_116 = arith.constant 0 : i32
    %dma_start3A_117 = tpu.memref_slice %arg4[%dma_start3A_114, %dma_start3A_115, %dma_start3A_116] : memref<6x32x512xf32, #tpu.memory_space<vmem>> -> memref<1x32x512xf32, #tpu.memory_space<vmem>>
    %dma_start3A_118 = tpu.memref_squeeze %dma_start3A_117 : memref<1x32x512xf32, #tpu.memory_space<vmem>> -> memref<32x512xf32, #tpu.memory_space<vmem>>
    %dma_start3A_119 = arith.constant 32 : i32
    %dma_start3A_120 = tpu.memref_slice %arg2[%dma_start3A_113, %dma_start3A_119, %mul3A_2] : memref<100x64x16384xf32, #tpu.memory_space<hbm>> -> memref<1x32x512xf32, #tpu.memory_space<hbm>>
    %dma_start3A_121 = tpu.memref_squeeze %dma_start3A_120 : memref<1x32x512xf32, #tpu.memory_space<hbm>> -> memref<32x512xf32, #tpu.memory_space<hbm>>
    %dma_start3A_122 = arith.constant 0 : i32
    %dma_start3A_123 = arith.constant 0 : i32
    %dma_start3A_124 = tpu.memref_slice %arg4[%dma_start3A_114, %dma_start3A_122, %dma_start3A_123] : memref<6x32x512xf32, #tpu.memory_space<vmem>> -> memref<1x32x512xf32, #tpu.memory_space<vmem>>
    %dma_start3A_125 = tpu.memref_squeeze %dma_start3A_124 : memref<1x32x512xf32, #tpu.memory_space<vmem>> -> memref<32x512xf32, #tpu.memory_space<vmem>>
    %dma_start3A_126 = arith.constant 32 : i32
    %dma_start3A_127 = tpu.memref_slice %arg2[%dma_start3A_113, %dma_start3A_126, %mul3A_2] : memref<100x64x16384xf32, #tpu.memory_space<hbm>> -> memref<1x32x512xf32, #tpu.memory_space<hbm>>
    %dma_start3A_128 = tpu.memref_squeeze %dma_start3A_127 : memref<1x32x512xf32, #tpu.memory_space<hbm>> -> memref<32x512xf32, #tpu.memory_space<hbm>>
    tpu.enqueue_dma source(%dma_start3A_128 : memref<32x512xf32, #tpu.memory_space<hbm>>) target(%dma_start3A_125 : memref<32x512xf32, #tpu.memory_space<vmem>>) target_semaphore(%arg8 : memref<!tpu.dma_semaphore, #tpu.memory_space<semaphore_mem>>)
    %dma_wait3A_129 = arith.constant 0 : i32
    %dma_wait3A_130 = arith.constant 2 : i32
    %dma_wait3A_131 = arith.constant 0 : i32
    %dma_wait3A_132 = arith.constant 0 : i32
    %dma_wait3A_133 = tpu.memref_slice %arg4[%dma_wait3A_130, %dma_wait3A_131, %dma_wait3A_132] : memref<6x32x512xf32, #tpu.memory_space<vmem>> -> memref<1x32x512xf32, #tpu.memory_space<vmem>>
    %dma_wait3A_134 = tpu.memref_squeeze %dma_wait3A_133 : memref<1x32x512xf32, #tpu.memory_space<vmem>> -> memref<32x512xf32, #tpu.memory_space<vmem>>
    %dma_wait3A_135 = arith.constant 0 : i32
    %dma_wait3A_136 = tpu.memref_slice %arg2[%dma_wait3A_129, %dma_wait3A_135, %mul3A_2] : memref<100x64x16384xf32, #tpu.memory_space<hbm>> -> memref<1x32x512xf32, #tpu.memory_space<hbm>>
    %dma_wait3A_137 = tpu.memref_squeeze %dma_wait3A_136 : memref<1x32x512xf32, #tpu.memory_space<hbm>> -> memref<32x512xf32, #tpu.memory_space<hbm>>
    %dma_wait3A_138 = arith.constant 0 : i32
    %dma_wait3A_139 = arith.constant 0 : i32
    %dma_wait3A_140 = tpu.memref_slice %arg4[%dma_wait3A_130, %dma_wait3A_138, %dma_wait3A_139] : memref<6x32x512xf32, #tpu.memory_space<vmem>> -> memref<1x32x512xf32, #tpu.memory_space<vmem>>
    %dma_wait3A_141 = tpu.memref_squeeze %dma_wait3A_140 : memref<1x32x512xf32, #tpu.memory_space<vmem>> -> memref<32x512xf32, #tpu.memory_space<vmem>>
    %dma_wait3A_142 = arith.constant 0 : i32
    %dma_wait3A_143 = tpu.memref_slice %arg2[%dma_wait3A_129, %dma_wait3A_142, %mul3A_2] : memref<100x64x16384xf32, #tpu.memory_space<hbm>> -> memref<1x32x512xf32, #tpu.memory_space<hbm>>
    %dma_wait3A_144 = tpu.memref_squeeze %dma_wait3A_143 : memref<1x32x512xf32, #tpu.memory_space<hbm>> -> memref<32x512xf32, #tpu.memory_space<hbm>>
    tpu.wait_dma2 semaphore(%arg7 : memref<!tpu.dma_semaphore, #tpu.memory_space<semaphore_mem>>) src(%dma_wait3A_144 : memref<32x512xf32, #tpu.memory_space<hbm>>) dst(%dma_wait3A_141 : memref<32x512xf32, #tpu.memory_space<vmem>>)
    %dma_start3A_145 = arith.constant 2 : i32
    %dma_start3A_146 = arith.constant 1 : i32
    %dma_start3A_147 = arith.constant 0 : i32
    %dma_start3A_148 = arith.constant 0 : i32
    %dma_start3A_149 = tpu.memref_slice %arg4[%dma_start3A_145, %dma_start3A_147, %dma_start3A_148] : memref<6x32x512xf32, #tpu.memory_space<vmem>> -> memref<1x32x512xf32, #tpu.memory_space<vmem>>
    %dma_start3A_150 = tpu.memref_squeeze %dma_start3A_149 : memref<1x32x512xf32, #tpu.memory_space<vmem>> -> memref<32x512xf32, #tpu.memory_space<vmem>>
    %dma_start3A_151 = arith.constant 0 : i32
    %dma_start3A_152 = tpu.memref_slice %arg3[%dma_start3A_146, %dma_start3A_151, %mul3A_2] : memref<50x64x16384xf32, #tpu.memory_space<hbm>> -> memref<1x32x512xf32, #tpu.memory_space<hbm>>
    %dma_start3A_153 = tpu.memref_squeeze %dma_start3A_152 : memref<1x32x512xf32, #tpu.memory_space<hbm>> -> memref<32x512xf32, #tpu.memory_space<hbm>>
    %dma_start3A_154 = arith.constant 0 : i32
    %dma_start3A_155 = tpu.memref_slice %arg3[%dma_start3A_146, %dma_start3A_154, %mul3A_2] : memref<50x64x16384xf32, #tpu.memory_space<hbm>> -> memref<1x32x512xf32, #tpu.memory_space<hbm>>
    %dma_start3A_156 = tpu.memref_squeeze %dma_start3A_155 : memref<1x32x512xf32, #tpu.memory_space<hbm>> -> memref<32x512xf32, #tpu.memory_space<hbm>>
    %dma_start3A_157 = arith.constant 0 : i32
    %dma_start3A_158 = arith.constant 0 : i32
    %dma_start3A_159 = tpu.memref_slice %arg4[%dma_start3A_145, %dma_start3A_157, %dma_start3A_158] : memref<6x32x512xf32, #tpu.memory_space<vmem>> -> memref<1x32x512xf32, #tpu.memory_space<vmem>>
    %dma_start3A_160 = tpu.memref_squeeze %dma_start3A_159 : memref<1x32x512xf32, #tpu.memory_space<vmem>> -> memref<32x512xf32, #tpu.memory_space<vmem>>
    tpu.enqueue_dma source(%dma_start3A_160 : memref<32x512xf32, #tpu.memory_space<vmem>>) target(%dma_start3A_156 : memref<32x512xf32, #tpu.memory_space<hbm>>) target_semaphore(%arg13 : memref<!tpu.dma_semaphore, #tpu.memory_space<semaphore_mem>>)
    %dma_start3A_161 = arith.constant 4 : i32
    %dma_start3A_162 = arith.constant 4 : i32
    %dma_start3A_163 = arith.constant 0 : i32
    %dma_start3A_164 = arith.constant 0 : i32
    %dma_start3A_165 = tpu.memref_slice %arg4[%dma_start3A_162, %dma_start3A_163, %dma_start3A_164] : memref<6x32x512xf32, #tpu.memory_space<vmem>> -> memref<1x32x512xf32, #tpu.memory_space<vmem>>
    %dma_start3A_166 = tpu.memref_squeeze %dma_start3A_165 : memref<1x32x512xf32, #tpu.memory_space<vmem>> -> memref<32x512xf32, #tpu.memory_space<vmem>>
    %dma_start3A_167 = arith.constant 0 : i32
    %dma_start3A_168 = tpu.memref_slice %arg2[%dma_start3A_161, %dma_start3A_167, %mul3A_2] : memref<100x64x16384xf32, #tpu.memory_space<hbm>> -> memref<1x32x512xf32, #tpu.memory_space<hbm>>
    %dma_start3A_169 = tpu.memref_squeeze %dma_start3A_168 : memref<1x32x512xf32, #tpu.memory_space<hbm>> -> memref<32x512xf32, #tpu.memory_space<hbm>>
    %dma_start3A_170 = arith.constant 0 : i32
    %dma_start3A_171 = arith.constant 0 : i32
    %dma_start3A_172 = tpu.memref_slice %arg4[%dma_start3A_162, %dma_start3A_170, %dma_start3A_171] : memref<6x32x512xf32, #tpu.memory_space<vmem>> -> memref<1x32x512xf32, #tpu.memory_space<vmem>>
    %dma_start3A_173 = tpu.memref_squeeze %dma_start3A_172 : memref<1x32x512xf32, #tpu.memory_space<vmem>> -> memref<32x512xf32, #tpu.memory_space<vmem>>
    %dma_start3A_174 = arith.constant 0 : i32
    %dma_start3A_175 = tpu.memref_slice %arg2[%dma_start3A_161, %dma_start3A_174, %mul3A_2] : memref<100x64x16384xf32, #tpu.memory_space<hbm>> -> memref<1x32x512xf32, #tpu.memory_space<hbm>>
    %dma_start3A_176 = tpu.memref_squeeze %dma_start3A_175 : memref<1x32x512xf32, #tpu.memory_space<hbm>> -> memref<32x512xf32, #tpu.memory_space<hbm>>
    tpu.enqueue_dma source(%dma_start3A_176 : memref<32x512xf32, #tpu.memory_space<hbm>>) target(%dma_start3A_173 : memref<32x512xf32, #tpu.memory_space<vmem>>) target_semaphore(%arg9 : memref<!tpu.dma_semaphore, #tpu.memory_space<semaphore_mem>>)
    %dma_wait3A_177 = arith.constant 0 : i32
    %dma_wait3A_178 = arith.constant 3 : i32
    %dma_wait3A_179 = arith.constant 0 : i32
    %dma_wait3A_180 = arith.constant 0 : i32
    %dma_wait3A_181 = tpu.memref_slice %arg4[%dma_wait3A_178, %dma_wait3A_179, %dma_wait3A_180] : memref<6x32x512xf32, #tpu.memory_space<vmem>> -> memref<1x32x512xf32, #tpu.memory_space<vmem>>
    %dma_wait3A_182 = tpu.memref_squeeze %dma_wait3A_181 : memref<1x32x512xf32, #tpu.memory_space<vmem>> -> memref<32x512xf32, #tpu.memory_space<vmem>>
    %dma_wait3A_183 = arith.constant 0 : i32
    %dma_wait3A_184 = tpu.memref_slice %arg2[%dma_wait3A_177, %dma_wait3A_183, %mul3A_2] : memref<100x64x16384xf32, #tpu.memory_space<hbm>> -> memref<1x32x512xf32, #tpu.memory_space<hbm>>
    %dma_wait3A_185 = tpu.memref_squeeze %dma_wait3A_184 : memref<1x32x512xf32, #tpu.memory_space<hbm>> -> memref<32x512xf32, #tpu.memory_space<hbm>>
    %dma_wait3A_186 = arith.constant 0 : i32
    %dma_wait3A_187 = arith.constant 0 : i32
    %dma_wait3A_188 = tpu.memref_slice %arg4[%dma_wait3A_178, %dma_wait3A_186, %dma_wait3A_187] : memref<6x32x512xf32, #tpu.memory_space<vmem>> -> memref<1x32x512xf32, #tpu.memory_space<vmem>>
    %dma_wait3A_189 = tpu.memref_squeeze %dma_wait3A_188 : memref<1x32x512xf32, #tpu.memory_space<vmem>> -> memref<32x512xf32, #tpu.memory_space<vmem>>
    %dma_wait3A_190 = arith.constant 0 : i32
    %dma_wait3A_191 = tpu.memref_slice %arg2[%dma_wait3A_177, %dma_wait3A_190, %mul3A_2] : memref<100x64x16384xf32, #tpu.memory_space<hbm>> -> memref<1x32x512xf32, #tpu.memory_space<hbm>>
    %dma_wait3A_192 = tpu.memref_squeeze %dma_wait3A_191 : memref<1x32x512xf32, #tpu.memory_space<hbm>> -> memref<32x512xf32, #tpu.memory_space<hbm>>
    tpu.wait_dma2 semaphore(%arg8 : memref<!tpu.dma_semaphore, #tpu.memory_space<semaphore_mem>>) src(%dma_wait3A_192 : memref<32x512xf32, #tpu.memory_space<hbm>>) dst(%dma_wait3A_189 : memref<32x512xf32, #tpu.memory_space<vmem>>)
    %dma_start3A_193 = arith.constant 3 : i32
    %dma_start3A_194 = arith.constant 1 : i32
    %dma_start3A_195 = arith.constant 0 : i32
    %dma_start3A_196 = arith.constant 0 : i32
    %dma_start3A_197 = tpu.memref_slice %arg4[%dma_start3A_193, %dma_start3A_195, %dma_start3A_196] : memref<6x32x512xf32, #tpu.memory_space<vmem>> -> memref<1x32x512xf32, #tpu.memory_space<vmem>>
    %dma_start3A_198 = tpu.memref_squeeze %dma_start3A_197 : memref<1x32x512xf32, #tpu.memory_space<vmem>> -> memref<32x512xf32, #tpu.memory_space<vmem>>
    %dma_start3A_199 = arith.constant 32 : i32
    %dma_start3A_200 = tpu.memref_slice %arg3[%dma_start3A_194, %dma_start3A_199, %mul3A_2] : memref<50x64x16384xf32, #tpu.memory_space<hbm>> -> memref<1x32x512xf32, #tpu.memory_space<hbm>>
    %dma_start3A_201 = tpu.memref_squeeze %dma_start3A_200 : memref<1x32x512xf32, #tpu.memory_space<hbm>> -> memref<32x512xf32, #tpu.memory_space<hbm>>
    %dma_start3A_202 = arith.constant 32 : i32
    %dma_start3A_203 = tpu.memref_slice %arg3[%dma_start3A_194, %dma_start3A_202, %mul3A_2] : memref<50x64x16384xf32, #tpu.memory_space<hbm>> -> memref<1x32x512xf32, #tpu.memory_space<hbm>>
    %dma_start3A_204 = tpu.memref_squeeze %dma_start3A_203 : memref<1x32x512xf32, #tpu.memory_space<hbm>> -> memref<32x512xf32, #tpu.memory_space<hbm>>
    %dma_start3A_205 = arith.constant 0 : i32
    %dma_start3A_206 = arith.constant 0 : i32
    %dma_start3A_207 = tpu.memref_slice %arg4[%dma_start3A_193, %dma_start3A_205, %dma_start3A_206] : memref<6x32x512xf32, #tpu.memory_space<vmem>> -> memref<1x32x512xf32, #tpu.memory_space<vmem>>
    %dma_start3A_208 = tpu.memref_squeeze %dma_start3A_207 : memref<1x32x512xf32, #tpu.memory_space<vmem>> -> memref<32x512xf32, #tpu.memory_space<vmem>>
    tpu.enqueue_dma source(%dma_start3A_208 : memref<32x512xf32, #tpu.memory_space<vmem>>) target(%dma_start3A_204 : memref<32x512xf32, #tpu.memory_space<hbm>>) target_semaphore(%arg14 : memref<!tpu.dma_semaphore, #tpu.memory_space<semaphore_mem>>)
    %dma_start3A_209 = arith.constant 4 : i32
    %dma_start3A_210 = arith.constant 5 : i32
    %dma_start3A_211 = arith.constant 0 : i32
    %dma_start3A_212 = arith.constant 0 : i32
    %dma_start3A_213 = tpu.memref_slice %arg4[%dma_start3A_210, %dma_start3A_211, %dma_start3A_212] : memref<6x32x512xf32, #tpu.memory_space<vmem>> -> memref<1x32x512xf32, #tpu.memory_space<vmem>>
    %dma_start3A_214 = tpu.memref_squeeze %dma_start3A_213 : memref<1x32x512xf32, #tpu.memory_space<vmem>> -> memref<32x512xf32, #tpu.memory_space<vmem>>
    %dma_start3A_215 = arith.constant 32 : i32
    %dma_start3A_216 = tpu.memref_slice %arg2[%dma_start3A_209, %dma_start3A_215, %mul3A_2] : memref<100x64x16384xf32, #tpu.memory_space<hbm>> -> memref<1x32x512xf32, #tpu.memory_space<hbm>>
    %dma_start3A_217 = tpu.memref_squeeze %dma_start3A_216 : memref<1x32x512xf32, #tpu.memory_space<hbm>> -> memref<32x512xf32, #tpu.memory_space<hbm>>
    %dma_start3A_218 = arith.constant 0 : i32
    %dma_start3A_219 = arith.constant 0 : i32
    %dma_start3A_220 = tpu.memref_slice %arg4[%dma_start3A_210, %dma_start3A_218, %dma_start3A_219] : memref<6x32x512xf32, #tpu.memory_space<vmem>> -> memref<1x32x512xf32, #tpu.memory_space<vmem>>
    %dma_start3A_221 = tpu.memref_squeeze %dma_start3A_220 : memref<1x32x512xf32, #tpu.memory_space<vmem>> -> memref<32x512xf32, #tpu.memory_space<vmem>>
    %dma_start3A_222 = arith.constant 32 : i32
    %dma_start3A_223 = tpu.memref_slice %arg2[%dma_start3A_209, %dma_start3A_222, %mul3A_2] : memref<100x64x16384xf32, #tpu.memory_space<hbm>> -> memref<1x32x512xf32, #tpu.memory_space<hbm>>
    %dma_start3A_224 = tpu.memref_squeeze %dma_start3A_223 : memref<1x32x512xf32, #tpu.memory_space<hbm>> -> memref<32x512xf32, #tpu.memory_space<hbm>>
    tpu.enqueue_dma source(%dma_start3A_224 : memref<32x512xf32, #tpu.memory_space<hbm>>) target(%dma_start3A_221 : memref<32x512xf32, #tpu.memory_space<vmem>>) target_semaphore(%arg10 : memref<!tpu.dma_semaphore, #tpu.memory_space<semaphore_mem>>)
    %dma_wait3A_225 = arith.constant 0 : i32
    %dma_wait3A_226 = arith.constant 4 : i32
    %dma_wait3A_227 = arith.constant 0 : i32
    %dma_wait3A_228 = arith.constant 0 : i32
    %dma_wait3A_229 = tpu.memref_slice %arg4[%dma_wait3A_226, %dma_wait3A_227, %dma_wait3A_228] : memref<6x32x512xf32, #tpu.memory_space<vmem>> -> memref<1x32x512xf32, #tpu.memory_space<vmem>>
    %dma_wait3A_230 = tpu.memref_squeeze %dma_wait3A_229 : memref<1x32x512xf32, #tpu.memory_space<vmem>> -> memref<32x512xf32, #tpu.memory_space<vmem>>
    %dma_wait3A_231 = arith.constant 0 : i32
    %dma_wait3A_232 = tpu.memref_slice %arg2[%dma_wait3A_225, %dma_wait3A_231, %mul3A_2] : memref<100x64x16384xf32, #tpu.memory_space<hbm>> -> memref<1x32x512xf32, #tpu.memory_space<hbm>>
    %dma_wait3A_233 = tpu.memref_squeeze %dma_wait3A_232 : memref<1x32x512xf32, #tpu.memory_space<hbm>> -> memref<32x512xf32, #tpu.memory_space<hbm>>
    %dma_wait3A_234 = arith.constant 0 : i32
    %dma_wait3A_235 = arith.constant 0 : i32
    %dma_wait3A_236 = tpu.memref_slice %arg4[%dma_wait3A_226, %dma_wait3A_234, %dma_wait3A_235] : memref<6x32x512xf32, #tpu.memory_space<vmem>> -> memref<1x32x512xf32, #tpu.memory_space<vmem>>
    %dma_wait3A_237 = tpu.memref_squeeze %dma_wait3A_236 : memref<1x32x512xf32, #tpu.memory_space<vmem>> -> memref<32x512xf32, #tpu.memory_space<vmem>>
    %dma_wait3A_238 = arith.constant 0 : i32
    %dma_wait3A_239 = tpu.memref_slice %arg2[%dma_wait3A_225, %dma_wait3A_238, %mul3A_2] : memref<100x64x16384xf32, #tpu.memory_space<hbm>> -> memref<1x32x512xf32, #tpu.memory_space<hbm>>
    %dma_wait3A_240 = tpu.memref_squeeze %dma_wait3A_239 : memref<1x32x512xf32, #tpu.memory_space<hbm>> -> memref<32x512xf32, #tpu.memory_space<hbm>>
    tpu.wait_dma2 semaphore(%arg9 : memref<!tpu.dma_semaphore, #tpu.memory_space<semaphore_mem>>) src(%dma_wait3A_240 : memref<32x512xf32, #tpu.memory_space<hbm>>) dst(%dma_wait3A_237 : memref<32x512xf32, #tpu.memory_space<vmem>>)
    %dma_wait3A_241 = arith.constant 0 : i32
    %dma_wait3A_242 = arith.constant 0 : i32
    %dma_wait3A_243 = arith.constant 0 : i32
    %dma_wait3A_244 = arith.constant 0 : i32
    %dma_wait3A_245 = tpu.memref_slice %arg4[%dma_wait3A_241, %dma_wait3A_243, %dma_wait3A_244] : memref<6x32x512xf32, #tpu.memory_space<vmem>> -> memref<1x32x512xf32, #tpu.memory_space<vmem>>
    %dma_wait3A_246 = tpu.memref_squeeze %dma_wait3A_245 : memref<1x32x512xf32, #tpu.memory_space<vmem>> -> memref<32x512xf32, #tpu.memory_space<vmem>>
    %dma_wait3A_247 = arith.constant 0 : i32
    %dma_wait3A_248 = tpu.memref_slice %arg3[%dma_wait3A_242, %dma_wait3A_247, %mul3A_2] : memref<50x64x16384xf32, #tpu.memory_space<hbm>> -> memref<1x32x512xf32, #tpu.memory_space<hbm>>
    %dma_wait3A_249 = tpu.memref_squeeze %dma_wait3A_248 : memref<1x32x512xf32, #tpu.memory_space<hbm>> -> memref<32x512xf32, #tpu.memory_space<hbm>>
    %dma_wait3A_250 = arith.constant 0 : i32
    %dma_wait3A_251 = tpu.memref_slice %arg3[%dma_wait3A_242, %dma_wait3A_250, %mul3A_2] : memref<50x64x16384xf32, #tpu.memory_space<hbm>> -> memref<1x32x512xf32, #tpu.memory_space<hbm>>
    %dma_wait3A_252 = tpu.memref_squeeze %dma_wait3A_251 : memref<1x32x512xf32, #tpu.memory_space<hbm>> -> memref<32x512xf32, #tpu.memory_space<hbm>>
    %dma_wait3A_253 = arith.constant 0 : i32
    %dma_wait3A_254 = arith.constant 0 : i32
    %dma_wait3A_255 = tpu.memref_slice %arg4[%dma_wait3A_241, %dma_wait3A_253, %dma_wait3A_254] : memref<6x32x512xf32, #tpu.memory_space<vmem>> -> memref<1x32x512xf32, #tpu.memory_space<vmem>>
    %dma_wait3A_256 = tpu.memref_squeeze %dma_wait3A_255 : memref<1x32x512xf32, #tpu.memory_space<vmem>> -> memref<32x512xf32, #tpu.memory_space<vmem>>
    tpu.wait_dma2 semaphore(%arg11 : memref<!tpu.dma_semaphore, #tpu.memory_space<semaphore_mem>>) src(%dma_wait3A_256 : memref<32x512xf32, #tpu.memory_space<vmem>>) dst(%dma_wait3A_252 : memref<32x512xf32, #tpu.memory_space<hbm>>)
    %dma_start3A_257 = arith.constant 4 : i32
    %dma_start3A_258 = arith.constant 2 : i32
    %dma_start3A_259 = arith.constant 0 : i32
    %dma_start3A_260 = arith.constant 0 : i32
    %dma_start3A_261 = tpu.memref_slice %arg4[%dma_start3A_257, %dma_start3A_259, %dma_start3A_260] : memref<6x32x512xf32, #tpu.memory_space<vmem>> -> memref<1x32x512xf32, #tpu.memory_space<vmem>>
    %dma_start3A_262 = tpu.memref_squeeze %dma_start3A_261 : memref<1x32x512xf32, #tpu.memory_space<vmem>> -> memref<32x512xf32, #tpu.memory_space<vmem>>
    %dma_start3A_263 = arith.constant 0 : i32
    %dma_start3A_264 = tpu.memref_slice %arg3[%dma_start3A_258, %dma_start3A_263, %mul3A_2] : memref<50x64x16384xf32, #tpu.memory_space<hbm>> -> memref<1x32x512xf32, #tpu.memory_space<hbm>>
    %dma_start3A_265 = tpu.memref_squeeze %dma_start3A_264 : memref<1x32x512xf32, #tpu.memory_space<hbm>> -> memref<32x512xf32, #tpu.memory_space<hbm>>
    %dma_start3A_266 = arith.constant 0 : i32
    %dma_start3A_267 = tpu.memref_slice %arg3[%dma_start3A_258, %dma_start3A_266, %mul3A_2] : memref<50x64x16384xf32, #tpu.memory_space<hbm>> -> memref<1x32x512xf32, #tpu.memory_space<hbm>>
    %dma_start3A_268 = tpu.memref_squeeze %dma_start3A_267 : memref<1x32x512xf32, #tpu.memory_space<hbm>> -> memref<32x512xf32, #tpu.memory_space<hbm>>
    %dma_start3A_269 = arith.constant 0 : i32
    %dma_start3A_270 = arith.constant 0 : i32
    %dma_start3A_271 = tpu.memref_slice %arg4[%dma_start3A_257, %dma_start3A_269, %dma_start3A_270] : memref<6x32x512xf32, #tpu.memory_space<vmem>> -> memref<1x32x512xf32, #tpu.memory_space<vmem>>
    %dma_start3A_272 = tpu.memref_squeeze %dma_start3A_271 : memref<1x32x512xf32, #tpu.memory_space<vmem>> -> memref<32x512xf32, #tpu.memory_space<vmem>>
    tpu.enqueue_dma source(%dma_start3A_272 : memref<32x512xf32, #tpu.memory_space<vmem>>) target(%dma_start3A_268 : memref<32x512xf32, #tpu.memory_space<hbm>>) target_semaphore(%arg15 : memref<!tpu.dma_semaphore, #tpu.memory_space<semaphore_mem>>)
    %dma_start3A_273 = arith.constant 6 : i32
    %dma_start3A_274 = arith.constant 0 : i32
    %dma_start3A_275 = arith.constant 0 : i32
    %dma_start3A_276 = arith.constant 0 : i32
    %dma_start3A_277 = tpu.memref_slice %arg4[%dma_start3A_274, %dma_start3A_275, %dma_start3A_276] : memref<6x32x512xf32, #tpu.memory_space<vmem>> -> memref<1x32x512xf32, #tpu.memory_space<vmem>>
    %dma_start3A_278 = tpu.memref_squeeze %dma_start3A_277 : memref<1x32x512xf32, #tpu.memory_space<vmem>> -> memref<32x512xf32, #tpu.memory_space<vmem>>
    %dma_start3A_279 = arith.constant 0 : i32
    %dma_start3A_280 = tpu.memref_slice %arg2[%dma_start3A_273, %dma_start3A_279, %mul3A_2] : memref<100x64x16384xf32, #tpu.memory_space<hbm>> -> memref<1x32x512xf32, #tpu.memory_space<hbm>>
    %dma_start3A_281 = tpu.memref_squeeze %dma_start3A_280 : memref<1x32x512xf32, #tpu.memory_space<hbm>> -> memref<32x512xf32, #tpu.memory_space<hbm>>
    %dma_start3A_282 = arith.constant 0 : i32
    %dma_start3A_283 = arith.constant 0 : i32
    %dma_start3A_284 = tpu.memref_slice %arg4[%dma_start3A_274, %dma_start3A_282, %dma_start3A_283] : memref<6x32x512xf32, #tpu.memory_space<vmem>> -> memref<1x32x512xf32, #tpu.memory_space<vmem>>
    %dma_start3A_285 = tpu.memref_squeeze %dma_start3A_284 : memref<1x32x512xf32, #tpu.memory_space<vmem>> -> memref<32x512xf32, #tpu.memory_space<vmem>>
    %dma_start3A_286 = arith.constant 0 : i32
    %dma_start3A_287 = tpu.memref_slice %arg2[%dma_start3A_273, %dma_start3A_286, %mul3A_2] : memref<100x64x16384xf32, #tpu.memory_space<hbm>> -> memref<1x32x512xf32, #tpu.memory_space<hbm>>
    %dma_start3A_288 = tpu.memref_squeeze %dma_start3A_287 : memref<1x32x512xf32, #tpu.memory_space<hbm>> -> memref<32x512xf32, #tpu.memory_space<hbm>>
    tpu.enqueue_dma source(%dma_start3A_288 : memref<32x512xf32, #tpu.memory_space<hbm>>) target(%dma_start3A_285 : memref<32x512xf32, #tpu.memory_space<vmem>>) target_semaphore(%arg5 : memref<!tpu.dma_semaphore, #tpu.memory_space<semaphore_mem>>)
    %dma_wait3A_289 = arith.constant 0 : i32
    %dma_wait3A_290 = arith.constant 5 : i32
    %dma_wait3A_291 = arith.constant 0 : i32
    %dma_wait3A_292 = arith.constant 0 : i32
    %dma_wait3A_293 = tpu.memref_slice %arg4[%dma_wait3A_290, %dma_wait3A_291, %dma_wait3A_292] : memref<6x32x512xf32, #tpu.memory_space<vmem>> -> memref<1x32x512xf32, #tpu.memory_space<vmem>>
    %dma_wait3A_294 = tpu.memref_squeeze %dma_wait3A_293 : memref<1x32x512xf32, #tpu.memory_space<vmem>> -> memref<32x512xf32, #tpu.memory_space<vmem>>
    %dma_wait3A_295 = arith.constant 0 : i32
    %dma_wait3A_296 = tpu.memref_slice %arg2[%dma_wait3A_289, %dma_wait3A_295, %mul3A_2] : memref<100x64x16384xf32, #tpu.memory_space<hbm>> -> memref<1x32x512xf32, #tpu.memory_space<hbm>>
    %dma_wait3A_297 = tpu.memref_squeeze %dma_wait3A_296 : memref<1x32x512xf32, #tpu.memory_space<hbm>> -> memref<32x512xf32, #tpu.memory_space<hbm>>
    %dma_wait3A_298 = arith.constant 0 : i32
    %dma_wait3A_299 = arith.constant 0 : i32
    %dma_wait3A_300 = tpu.memref_slice %arg4[%dma_wait3A_290, %dma_wait3A_298, %dma_wait3A_299] : memref<6x32x512xf32, #tpu.memory_space<vmem>> -> memref<1x32x512xf32, #tpu.memory_space<vmem>>
    %dma_wait3A_301 = tpu.memref_squeeze %dma_wait3A_300 : memref<1x32x512xf32, #tpu.memory_space<vmem>> -> memref<32x512xf32, #tpu.memory_space<vmem>>
    %dma_wait3A_302 = arith.constant 0 : i32
    %dma_wait3A_303 = tpu.memref_slice %arg2[%dma_wait3A_289, %dma_wait3A_302, %mul3A_2] : memref<100x64x16384xf32, #tpu.memory_space<hbm>> -> memref<1x32x512xf32, #tpu.memory_space<hbm>>
    %dma_wait3A_304 = tpu.memref_squeeze %dma_wait3A_303 : memref<1x32x512xf32, #tpu.memory_space<hbm>> -> memref<32x512xf32, #tpu.memory_space<hbm>>
    tpu.wait_dma2 semaphore(%arg10 : memref<!tpu.dma_semaphore, #tpu.memory_space<semaphore_mem>>) src(%dma_wait3A_304 : memref<32x512xf32, #tpu.memory_space<hbm>>) dst(%dma_wait3A_301 : memref<32x512xf32, #tpu.memory_space<vmem>>)
    %dma_wait3A_305 = arith.constant 1 : i32
    %dma_wait3A_306 = arith.constant 0 : i32
    %dma_wait3A_307 = arith.constant 0 : i32
    %dma_wait3A_308 = arith.constant 0 : i32
    %dma_wait3A_309 = tpu.memref_slice %arg4[%dma_wait3A_305, %dma_wait3A_307, %dma_wait3A_308] : memref<6x32x512xf32, #tpu.memory_space<vmem>> -> memref<1x32x512xf32, #tpu.memory_space<vmem>>
    %dma_wait3A_310 = tpu.memref_squeeze %dma_wait3A_309 : memref<1x32x512xf32, #tpu.memory_space<vmem>> -> memref<32x512xf32, #tpu.memory_space<vmem>>
    %dma_wait3A_311 = arith.constant 0 : i32
    %dma_wait3A_312 = tpu.memref_slice %arg3[%dma_wait3A_306, %dma_wait3A_311, %mul3A_2] : memref<50x64x16384xf32, #tpu.memory_space<hbm>> -> memref<1x32x512xf32, #tpu.memory_space<hbm>>
    %dma_wait3A_313 = tpu.memref_squeeze %dma_wait3A_312 : memref<1x32x512xf32, #tpu.memory_space<hbm>> -> memref<32x512xf32, #tpu.memory_space<hbm>>
    %dma_wait3A_314 = arith.constant 0 : i32
    %dma_wait3A_315 = tpu.memref_slice %arg3[%dma_wait3A_306, %dma_wait3A_314, %mul3A_2] : memref<50x64x16384xf32, #tpu.memory_space<hbm>> -> memref<1x32x512xf32, #tpu.memory_space<hbm>>
    %dma_wait3A_316 = tpu.memref_squeeze %dma_wait3A_315 : memref<1x32x512xf32, #tpu.memory_space<hbm>> -> memref<32x512xf32, #tpu.memory_space<hbm>>
    %dma_wait3A_317 = arith.constant 0 : i32
    %dma_wait3A_318 = arith.constant 0 : i32
    %dma_wait3A_319 = tpu.memref_slice %arg4[%dma_wait3A_305, %dma_wait3A_317, %dma_wait3A_318] : memref<6x32x512xf32, #tpu.memory_space<vmem>> -> memref<1x32x512xf32, #tpu.memory_space<vmem>>
    %dma_wait3A_320 = tpu.memref_squeeze %dma_wait3A_319 : memref<1x32x512xf32, #tpu.memory_space<vmem>> -> memref<32x512xf32, #tpu.memory_space<vmem>>
    tpu.wait_dma2 semaphore(%arg12 : memref<!tpu.dma_semaphore, #tpu.memory_space<semaphore_mem>>) src(%dma_wait3A_320 : memref<32x512xf32, #tpu.memory_space<vmem>>) dst(%dma_wait3A_316 : memref<32x512xf32, #tpu.memory_space<hbm>>)
    %dma_start3A_321 = arith.constant 5 : i32
    %dma_start3A_322 = arith.constant 2 : i32
    %dma_start3A_323 = arith.constant 0 : i32
    %dma_start3A_324 = arith.constant 0 : i32
    %dma_start3A_325 = tpu.memref_slice %arg4[%dma_start3A_321, %dma_start3A_323, %dma_start3A_324] : memref<6x32x512xf32, #tpu.memory_space<vmem>> -> memref<1x32x512xf32, #tpu.memory_space<vmem>>
    %dma_start3A_326 = tpu.memref_squeeze %dma_start3A_325 : memref<1x32x512xf32, #tpu.memory_space<vmem>> -> memref<32x512xf32, #tpu.memory_space<vmem>>
    %dma_start3A_327 = arith.constant 32 : i32
    %dma_start3A_328 = tpu.memref_slice %arg3[%dma_start3A_322, %dma_start3A_327, %mul3A_2] : memref<50x64x16384xf32, #tpu.memory_space<hbm>> -> memref<1x32x512xf32, #tpu.memory_space<hbm>>
    %dma_start3A_329 = tpu.memref_squeeze %dma_start3A_328 : memref<1x32x512xf32, #tpu.memory_space<hbm>> -> memref<32x512xf32, #tpu.memory_space<hbm>>
    %dma_start3A_330 = arith.constant 32 : i32
    %dma_start3A_331 = tpu.memref_slice %arg3[%dma_start3A_322, %dma_start3A_330, %mul3A_2] : memref<50x64x16384xf32, #tpu.memory_space<hbm>> -> memref<1x32x512xf32, #tpu.memory_space<hbm>>
    %dma_start3A_332 = tpu.memref_squeeze %dma_start3A_331 : memref<1x32x512xf32, #tpu.memory_space<hbm>> -> memref<32x512xf32, #tpu.memory_space<hbm>>
    %dma_start3A_333 = arith.constant 0 : i32
    %dma_start3A_334 = arith.constant 0 : i32
    %dma_start3A_335 = tpu.memref_slice %arg4[%dma_start3A_321, %dma_start3A_333, %dma_start3A_334] : memref<6x32x512xf32, #tpu.memory_space<vmem>> -> memref<1x32x512xf32, #tpu.memory_space<vmem>>
    %dma_start3A_336 = tpu.memref_squeeze %dma_start3A_335 : memref<1x32x512xf32, #tpu.memory_space<vmem>> -> memref<32x512xf32, #tpu.memory_space<vmem>>
    tpu.enqueue_dma source(%dma_start3A_336 : memref<32x512xf32, #tpu.memory_space<vmem>>) target(%dma_start3A_332 : memref<32x512xf32, #tpu.memory_space<hbm>>) target_semaphore(%arg16 : memref<!tpu.dma_semaphore, #tpu.memory_space<semaphore_mem>>)
    %dma_start3A_337 = arith.constant 6 : i32
    %dma_start3A_338 = arith.constant 1 : i32
    %dma_start3A_339 = arith.constant 0 : i32
    %dma_start3A_340 = arith.constant 0 : i32
    %dma_start3A_341 = tpu.memref_slice %arg4[%dma_start3A_338, %dma_start3A_339, %dma_start3A_340] : memref<6x32x512xf32, #tpu.memory_space<vmem>> -> memref<1x32x512xf32, #tpu.memory_space<vmem>>
    %dma_start3A_342 = tpu.memref_squeeze %dma_start3A_341 : memref<1x32x512xf32, #tpu.memory_space<vmem>> -> memref<32x512xf32, #tpu.memory_space<vmem>>
    %dma_start3A_343 = arith.constant 32 : i32
    %dma_start3A_344 = tpu.memref_slice %arg2[%dma_start3A_337, %dma_start3A_343, %mul3A_2] : memref<100x64x16384xf32, #tpu.memory_space<hbm>> -> memref<1x32x512xf32, #tpu.memory_space<hbm>>
    %dma_start3A_345 = tpu.memref_squeeze %dma_start3A_344 : memref<1x32x512xf32, #tpu.memory_space<hbm>> -> memref<32x512xf32, #tpu.memory_space<hbm>>
    %dma_start3A_346 = arith.constant 0 : i32
    %dma_start3A_347 = arith.constant 0 : i32
    %dma_start3A_348 = tpu.memref_slice %arg4[%dma_start3A_338, %dma_start3A_346, %dma_start3A_347] : memref<6x32x512xf32, #tpu.memory_space<vmem>> -> memref<1x32x512xf32, #tpu.memory_space<vmem>>
    %dma_start3A_349 = tpu.memref_squeeze %dma_start3A_348 : memref<1x32x512xf32, #tpu.memory_space<vmem>> -> memref<32x512xf32, #tpu.memory_space<vmem>>
    %dma_start3A_350 = arith.constant 32 : i32
    %dma_start3A_351 = tpu.memref_slice %arg2[%dma_start3A_337, %dma_start3A_350, %mul3A_2] : memref<100x64x16384xf32, #tpu.memory_space<hbm>> -> memref<1x32x512xf32, #tpu.memory_space<hbm>>
    %dma_start3A_352 = tpu.memref_squeeze %dma_start3A_351 : memref<1x32x512xf32, #tpu.memory_space<hbm>> -> memref<32x512xf32, #tpu.memory_space<hbm>>
    tpu.enqueue_dma source(%dma_start3A_352 : memref<32x512xf32, #tpu.memory_space<hbm>>) target(%dma_start3A_349 : memref<32x512xf32, #tpu.memory_space<vmem>>) target_semaphore(%arg6 : memref<!tpu.dma_semaphore, #tpu.memory_space<semaphore_mem>>)
    %dma_wait3A_353 = arith.constant 0 : i32
    %dma_wait3A_354 = arith.constant 0 : i32
    %dma_wait3A_355 = arith.constant 0 : i32
    %dma_wait3A_356 = arith.constant 0 : i32
    %dma_wait3A_357 = tpu.memref_slice %arg4[%dma_wait3A_354, %dma_wait3A_355, %dma_wait3A_356] : memref<6x32x512xf32, #tpu.memory_space<vmem>> -> memref<1x32x512xf32, #tpu.memory_space<vmem>>
    %dma_wait3A_358 = tpu.memref_squeeze %dma_wait3A_357 : memref<1x32x512xf32, #tpu.memory_space<vmem>> -> memref<32x512xf32, #tpu.memory_space<vmem>>
    %dma_wait3A_359 = arith.constant 0 : i32
    %dma_wait3A_360 = tpu.memref_slice %arg2[%dma_wait3A_353, %dma_wait3A_359, %mul3A_2] : memref<100x64x16384xf32, #tpu.memory_space<hbm>> -> memref<1x32x512xf32, #tpu.memory_space<hbm>>
    %dma_wait3A_361 = tpu.memref_squeeze %dma_wait3A_360 : memref<1x32x512xf32, #tpu.memory_space<hbm>> -> memref<32x512xf32, #tpu.memory_space<hbm>>
    %dma_wait3A_362 = arith.constant 0 : i32
    %dma_wait3A_363 = arith.constant 0 : i32
    %dma_wait3A_364 = tpu.memref_slice %arg4[%dma_wait3A_354, %dma_wait3A_362, %dma_wait3A_363] : memref<6x32x512xf32, #tpu.memory_space<vmem>> -> memref<1x32x512xf32, #tpu.memory_space<vmem>>
    %dma_wait3A_365 = tpu.memref_squeeze %dma_wait3A_364 : memref<1x32x512xf32, #tpu.memory_space<vmem>> -> memref<32x512xf32, #tpu.memory_space<vmem>>
    %dma_wait3A_366 = arith.constant 0 : i32
    %dma_wait3A_367 = tpu.memref_slice %arg2[%dma_wait3A_353, %dma_wait3A_366, %mul3A_2] : memref<100x64x16384xf32, #tpu.memory_space<hbm>> -> memref<1x32x512xf32, #tpu.memory_space<hbm>>
    %dma_wait3A_368 = tpu.memref_squeeze %dma_wait3A_367 : memref<1x32x512xf32, #tpu.memory_space<hbm>> -> memref<32x512xf32, #tpu.memory_space<hbm>>
    tpu.wait_dma2 semaphore(%arg5 : memref<!tpu.dma_semaphore, #tpu.memory_space<semaphore_mem>>) src(%dma_wait3A_368 : memref<32x512xf32, #tpu.memory_space<hbm>>) dst(%dma_wait3A_365 : memref<32x512xf32, #tpu.memory_space<vmem>>)
    %dma_wait3A_369 = arith.constant 2 : i32
    %dma_wait3A_370 = arith.constant 0 : i32
    %dma_wait3A_371 = arith.constant 0 : i32
    %dma_wait3A_372 = arith.constant 0 : i32
    %dma_wait3A_373 = tpu.memref_slice %arg4[%dma_wait3A_369, %dma_wait3A_371, %dma_wait3A_372] : memref<6x32x512xf32, #tpu.memory_space<vmem>> -> memref<1x32x512xf32, #tpu.memory_space<vmem>>
    %dma_wait3A_374 = tpu.memref_squeeze %dma_wait3A_373 : memref<1x32x512xf32, #tpu.memory_space<vmem>> -> memref<32x512xf32, #tpu.memory_space<vmem>>
    %dma_wait3A_375 = arith.constant 0 : i32
    %dma_wait3A_376 = tpu.memref_slice %arg3[%dma_wait3A_370, %dma_wait3A_375, %mul3A_2] : memref<50x64x16384xf32, #tpu.memory_space<hbm>> -> memref<1x32x512xf32, #tpu.memory_space<hbm>>
    %dma_wait3A_377 = tpu.memref_squeeze %dma_wait3A_376 : memref<1x32x512xf32, #tpu.memory_space<hbm>> -> memref<32x512xf32, #tpu.memory_space<hbm>>
    %dma_wait3A_378 = arith.constant 0 : i32
    %dma_wait3A_379 = tpu.memref_slice %arg3[%dma_wait3A_370, %dma_wait3A_378, %mul3A_2] : memref<50x64x16384xf32, #tpu.memory_space<hbm>> -> memref<1x32x512xf32, #tpu.memory_space<hbm>>
    %dma_wait3A_380 = tpu.memref_squeeze %dma_wait3A_379 : memref<1x32x512xf32, #tpu.memory_space<hbm>> -> memref<32x512xf32, #tpu.memory_space<hbm>>
    %dma_wait3A_381 = arith.constant 0 : i32
    %dma_wait3A_382 = arith.constant 0 : i32
    %dma_wait3A_383 = tpu.memref_slice %arg4[%dma_wait3A_369, %dma_wait3A_381, %dma_wait3A_382] : memref<6x32x512xf32, #tpu.memory_space<vmem>> -> memref<1x32x512xf32, #tpu.memory_space<vmem>>
    %dma_wait3A_384 = tpu.memref_squeeze %dma_wait3A_383 : memref<1x32x512xf32, #tpu.memory_space<vmem>> -> memref<32x512xf32, #tpu.memory_space<vmem>>
    tpu.wait_dma2 semaphore(%arg13 : memref<!tpu.dma_semaphore, #tpu.memory_space<semaphore_mem>>) src(%dma_wait3A_384 : memref<32x512xf32, #tpu.memory_space<vmem>>) dst(%dma_wait3A_380 : memref<32x512xf32, #tpu.memory_space<hbm>>)
    %dma_start3A_385 = arith.constant 0 : i32
    %dma_start3A_386 = arith.constant 3 : i32
    %dma_start3A_387 = arith.constant 0 : i32
    %dma_start3A_388 = arith.constant 0 : i32
    %dma_start3A_389 = tpu.memref_slice %arg4[%dma_start3A_385, %dma_start3A_387, %dma_start3A_388] : memref<6x32x512xf32, #tpu.memory_space<vmem>> -> memref<1x32x512xf32, #tpu.memory_space<vmem>>
    %dma_start3A_390 = tpu.memref_squeeze %dma_start3A_389 : memref<1x32x512xf32, #tpu.memory_space<vmem>> -> memref<32x512xf32, #tpu.memory_space<vmem>>
    %dma_start3A_391 = arith.constant 0 : i32
    %dma_start3A_392 = tpu.memref_slice %arg3[%dma_start3A_386, %dma_start3A_391, %mul3A_2] : memref<50x64x16384xf32, #tpu.memory_space<hbm>> -> memref<1x32x512xf32, #tpu.memory_space<hbm>>
    %dma_start3A_393 = tpu.memref_squeeze %dma_start3A_392 : memref<1x32x512xf32, #tpu.memory_space<hbm>> -> memref<32x512xf32, #tpu.memory_space<hbm>>
    %dma_start3A_394 = arith.constant 0 : i32
    %dma_start3A_395 = tpu.memref_slice %arg3[%dma_start3A_386, %dma_start3A_394, %mul3A_2] : memref<50x64x16384xf32, #tpu.memory_space<hbm>> -> memref<1x32x512xf32, #tpu.memory_space<hbm>>
    %dma_start3A_396 = tpu.memref_squeeze %dma_start3A_395 : memref<1x32x512xf32, #tpu.memory_space<hbm>> -> memref<32x512xf32, #tpu.memory_space<hbm>>
    %dma_start3A_397 = arith.constant 0 : i32
    %dma_start3A_398 = arith.constant 0 : i32
    %dma_start3A_399 = tpu.memref_slice %arg4[%dma_start3A_385, %dma_start3A_397, %dma_start3A_398] : memref<6x32x512xf32, #tpu.memory_space<vmem>> -> memref<1x32x512xf32, #tpu.memory_space<vmem>>
    %dma_start3A_400 = tpu.memref_squeeze %dma_start3A_399 : memref<1x32x512xf32, #tpu.memory_space<vmem>> -> memref<32x512xf32, #tpu.memory_space<vmem>>
    tpu.enqueue_dma source(%dma_start3A_400 : memref<32x512xf32, #tpu.memory_space<vmem>>) target(%dma_start3A_396 : memref<32x512xf32, #tpu.memory_space<hbm>>) target_semaphore(%arg11 : memref<!tpu.dma_semaphore, #tpu.memory_space<semaphore_mem>>)
    %dma_start3A_401 = arith.constant 8 : i32
    %dma_start3A_402 = arith.constant 2 : i32
    %dma_start3A_403 = arith.constant 0 : i32
    %dma_start3A_404 = arith.constant 0 : i32
    %dma_start3A_405 = tpu.memref_slice %arg4[%dma_start3A_402, %dma_start3A_403, %dma_start3A_404] : memref<6x32x512xf32, #tpu.memory_space<vmem>> -> memref<1x32x512xf32, #tpu.memory_space<vmem>>
    %dma_start3A_406 = tpu.memref_squeeze %dma_start3A_405 : memref<1x32x512xf32, #tpu.memory_space<vmem>> -> memref<32x512xf32, #tpu.memory_space<vmem>>
    %dma_start3A_407 = arith.constant 0 : i32
    %dma_start3A_408 = tpu.memref_slice %arg2[%dma_start3A_401, %dma_start3A_407, %mul3A_2] : memref<100x64x16384xf32, #tpu.memory_space<hbm>> -> memref<1x32x512xf32, #tpu.memory_space<hbm>>
    %dma_start3A_409 = tpu.memref_squeeze %dma_start3A_408 : memref<1x32x512xf32, #tpu.memory_space<hbm>> -> memref<32x512xf32, #tpu.memory_space<hbm>>
    %dma_start3A_410 = arith.constant 0 : i32
    %dma_start3A_411 = arith.constant 0 : i32
    %dma_start3A_412 = tpu.memref_slice %arg4[%dma_start3A_402, %dma_start3A_410, %dma_start3A_411] : memref<6x32x512xf32, #tpu.memory_space<vmem>> -> memref<1x32x512xf32, #tpu.memory_space<vmem>>
    %dma_start3A_413 = tpu.memref_squeeze %dma_start3A_412 : memref<1x32x512xf32, #tpu.memory_space<vmem>> -> memref<32x512xf32, #tpu.memory_space<vmem>>
    %dma_start3A_414 = arith.constant 0 : i32
    %dma_start3A_415 = tpu.memref_slice %arg2[%dma_start3A_401, %dma_start3A_414, %mul3A_2] : memref<100x64x16384xf32, #tpu.memory_space<hbm>> -> memref<1x32x512xf32, #tpu.memory_space<hbm>>
    %dma_start3A_416 = tpu.memref_squeeze %dma_start3A_415 : memref<1x32x512xf32, #tpu.memory_space<hbm>> -> memref<32x512xf32, #tpu.memory_space<hbm>>
    tpu.enqueue_dma source(%dma_start3A_416 : memref<32x512xf32, #tpu.memory_space<hbm>>) target(%dma_start3A_413 : memref<32x512xf32, #tpu.memory_space<vmem>>) target_semaphore(%arg7 : memref<!tpu.dma_semaphore, #tpu.memory_space<semaphore_mem>>)
    %dma_wait3A_417 = arith.constant 0 : i32
    %dma_wait3A_418 = arith.constant 1 : i32
    %dma_wait3A_419 = arith.constant 0 : i32
    %dma_wait3A_420 = arith.constant 0 : i32
    %dma_wait3A_421 = tpu.memref_slice %arg4[%dma_wait3A_418, %dma_wait3A_419, %dma_wait3A_420] : memref<6x32x512xf32, #tpu.memory_space<vmem>> -> memref<1x32x512xf32, #tpu.memory_space<vmem>>
    %dma_wait3A_422 = tpu.memref_squeeze %dma_wait3A_421 : memref<1x32x512xf32, #tpu.memory_space<vmem>> -> memref<32x512xf32, #tpu.memory_space<vmem>>
    %dma_wait3A_423 = arith.constant 0 : i32
    %dma_wait3A_424 = tpu.memref_slice %arg2[%dma_wait3A_417, %dma_wait3A_423, %mul3A_2] : memref<100x64x16384xf32, #tpu.memory_space<hbm>> -> memref<1x32x512xf32, #tpu.memory_space<hbm>>
    %dma_wait3A_425 = tpu.memref_squeeze %dma_wait3A_424 : memref<1x32x512xf32, #tpu.memory_space<hbm>> -> memref<32x512xf32, #tpu.memory_space<hbm>>
    %dma_wait3A_426 = arith.constant 0 : i32
    %dma_wait3A_427 = arith.constant 0 : i32
    %dma_wait3A_428 = tpu.memref_slice %arg4[%dma_wait3A_418, %dma_wait3A_426, %dma_wait3A_427] : memref<6x32x512xf32, #tpu.memory_space<vmem>> -> memref<1x32x512xf32, #tpu.memory_space<vmem>>
    %dma_wait3A_429 = tpu.memref_squeeze %dma_wait3A_428 : memref<1x32x512xf32, #tpu.memory_space<vmem>> -> memref<32x512xf32, #tpu.memory_space<vmem>>
    %dma_wait3A_430 = arith.constant 0 : i32
    %dma_wait3A_431 = tpu.memref_slice %arg2[%dma_wait3A_417, %dma_wait3A_430, %mul3A_2] : memref<100x64x16384xf32, #tpu.memory_space<hbm>> -> memref<1x32x512xf32, #tpu.memory_space<hbm>>
    %dma_wait3A_432 = tpu.memref_squeeze %dma_wait3A_431 : memref<1x32x512xf32, #tpu.memory_space<hbm>> -> memref<32x512xf32, #tpu.memory_space<hbm>>
    tpu.wait_dma2 semaphore(%arg6 : memref<!tpu.dma_semaphore, #tpu.memory_space<semaphore_mem>>) src(%dma_wait3A_432 : memref<32x512xf32, #tpu.memory_space<hbm>>) dst(%dma_wait3A_429 : memref<32x512xf32, #tpu.memory_space<vmem>>)
    %dma_wait3A_433 = arith.constant 3 : i32
    %dma_wait3A_434 = arith.constant 0 : i32
    %dma_wait3A_435 = arith.constant 0 : i32
    %dma_wait3A_436 = arith.constant 0 : i32
    %dma_wait3A_437 = tpu.memref_slice %arg4[%dma_wait3A_433, %dma_wait3A_435, %dma_wait3A_436] : memref<6x32x512xf32, #tpu.memory_space<vmem>> -> memref<1x32x512xf32, #tpu.memory_space<vmem>>
    %dma_wait3A_438 = tpu.memref_squeeze %dma_wait3A_437 : memref<1x32x512xf32, #tpu.memory_space<vmem>> -> memref<32x512xf32, #tpu.memory_space<vmem>>
    %dma_wait3A_439 = arith.constant 0 : i32
    %dma_wait3A_440 = tpu.memref_slice %arg3[%dma_wait3A_434, %dma_wait3A_439, %mul3A_2] : memref<50x64x16384xf32, #tpu.memory_space<hbm>> -> memref<1x32x512xf32, #tpu.memory_space<hbm>>
    %dma_wait3A_441 = tpu.memref_squeeze %dma_wait3A_440 : memref<1x32x512xf32, #tpu.memory_space<hbm>> -> memref<32x512xf32, #tpu.memory_space<hbm>>
    %dma_wait3A_442 = arith.constant 0 : i32
    %dma_wait3A_443 = tpu.memref_slice %arg3[%dma_wait3A_434, %dma_wait3A_442, %mul3A_2] : memref<50x64x16384xf32, #tpu.memory_space<hbm>> -> memref<1x32x512xf32, #tpu.memory_space<hbm>>
    %dma_wait3A_444 = tpu.memref_squeeze %dma_wait3A_443 : memref<1x32x512xf32, #tpu.memory_space<hbm>> -> memref<32x512xf32, #tpu.memory_space<hbm>>
    %dma_wait3A_445 = arith.constant 0 : i32
    %dma_wait3A_446 = arith.constant 0 : i32
    %dma_wait3A_447 = tpu.memref_slice %arg4[%dma_wait3A_433, %dma_wait3A_445, %dma_wait3A_446] : memref<6x32x512xf32, #tpu.memory_space<vmem>> -> memref<1x32x512xf32, #tpu.memory_space<vmem>>
    %dma_wait3A_448 = tpu.memref_squeeze %dma_wait3A_447 : memref<1x32x512xf32, #tpu.memory_space<vmem>> -> memref<32x512xf32, #tpu.memory_space<vmem>>
    tpu.wait_dma2 semaphore(%arg14 : memref<!tpu.dma_semaphore, #tpu.memory_space<semaphore_mem>>) src(%dma_wait3A_448 : memref<32x512xf32, #tpu.memory_space<vmem>>) dst(%dma_wait3A_444 : memref<32x512xf32, #tpu.memory_space<hbm>>)
    %dma_start3A_449 = arith.constant 1 : i32
    %dma_start3A_450 = arith.constant 3 : i32
    %dma_start3A_451 = arith.constant 0 : i32
    %dma_start3A_452 = arith.constant 0 : i32
    %dma_start3A_453 = tpu.memref_slice %arg4[%dma_start3A_449, %dma_start3A_451, %dma_start3A_452] : memref<6x32x512xf32, #tpu.memory_space<vmem>> -> memref<1x32x512xf32, #tpu.memory_space<vmem>>
    %dma_start3A_454 = tpu.memref_squeeze %dma_start3A_453 : memref<1x32x512xf32, #tpu.memory_space<vmem>> -> memref<32x512xf32, #tpu.memory_space<vmem>>
    %dma_start3A_455 = arith.constant 32 : i32
    %dma_start3A_456 = tpu.memref_slice %arg3[%dma_start3A_450, %dma_start3A_455, %mul3A_2] : memref<50x64x16384xf32, #tpu.memory_space<hbm>> -> memref<1x32x512xf32, #tpu.memory_space<hbm>>
    %dma_start3A_457 = tpu.memref_squeeze %dma_start3A_456 : memref<1x32x512xf32, #tpu.memory_space<hbm>> -> memref<32x512xf32, #tpu.memory_space<hbm>>
    %dma_start3A_458 = arith.constant 32 : i32
    %dma_start3A_459 = tpu.memref_slice %arg3[%dma_start3A_450, %dma_start3A_458, %mul3A_2] : memref<50x64x16384xf32, #tpu.memory_space<hbm>> -> memref<1x32x512xf32, #tpu.memory_space<hbm>>
    %dma_start3A_460 = tpu.memref_squeeze %dma_start3A_459 : memref<1x32x512xf32, #tpu.memory_space<hbm>> -> memref<32x512xf32, #tpu.memory_space<hbm>>
    %dma_start3A_461 = arith.constant 0 : i32
    %dma_start3A_462 = arith.constant 0 : i32
    %dma_start3A_463 = tpu.memref_slice %arg4[%dma_start3A_449, %dma_start3A_461, %dma_start3A_462] : memref<6x32x512xf32, #tpu.memory_space<vmem>> -> memref<1x32x512xf32, #tpu.memory_space<vmem>>
    %dma_start3A_464 = tpu.memref_squeeze %dma_start3A_463 : memref<1x32x512xf32, #tpu.memory_space<vmem>> -> memref<32x512xf32, #tpu.memory_space<vmem>>
    tpu.enqueue_dma source(%dma_start3A_464 : memref<32x512xf32, #tpu.memory_space<vmem>>) target(%dma_start3A_460 : memref<32x512xf32, #tpu.memory_space<hbm>>) target_semaphore(%arg12 : memref<!tpu.dma_semaphore, #tpu.memory_space<semaphore_mem>>)
    %dma_start3A_465 = arith.constant 8 : i32
    %dma_start3A_466 = arith.constant 3 : i32
    %dma_start3A_467 = arith.constant 0 : i32
    %dma_start3A_468 = arith.constant 0 : i32
    %dma_start3A_469 = tpu.memref_slice %arg4[%dma_start3A_466, %dma_start3A_467, %dma_start3A_468] : memref<6x32x512xf32, #tpu.memory_space<vmem>> -> memref<1x32x512xf32, #tpu.memory_space<vmem>>
    %dma_start3A_470 = tpu.memref_squeeze %dma_start3A_469 : memref<1x32x512xf32, #tpu.memory_space<vmem>> -> memref<32x512xf32, #tpu.memory_space<vmem>>
    %dma_start3A_471 = arith.constant 32 : i32
    %dma_start3A_472 = tpu.memref_slice %arg2[%dma_start3A_465, %dma_start3A_471, %mul3A_2] : memref<100x64x16384xf32, #tpu.memory_space<hbm>> -> memref<1x32x512xf32, #tpu.memory_space<hbm>>
    %dma_start3A_473 = tpu.memref_squeeze %dma_start3A_472 : memref<1x32x512xf32, #tpu.memory_space<hbm>> -> memref<32x512xf32, #tpu.memory_space<hbm>>
    %dma_start3A_474 = arith.constant 0 : i32
    %dma_start3A_475 = arith.constant 0 : i32
    %dma_start3A_476 = tpu.memref_slice %arg4[%dma_start3A_466, %dma_start3A_474, %dma_start3A_475] : memref<6x32x512xf32, #tpu.memory_space<vmem>> -> memref<1x32x512xf32, #tpu.memory_space<vmem>>
    %dma_start3A_477 = tpu.memref_squeeze %dma_start3A_476 : memref<1x32x512xf32, #tpu.memory_space<vmem>> -> memref<32x512xf32, #tpu.memory_space<vmem>>
    %dma_start3A_478 = arith.constant 32 : i32
    %dma_start3A_479 = tpu.memref_slice %arg2[%dma_start3A_465, %dma_start3A_478, %mul3A_2] : memref<100x64x16384xf32, #tpu.memory_space<hbm>> -> memref<1x32x512xf32, #tpu.memory_space<hbm>>
    %dma_start3A_480 = tpu.memref_squeeze %dma_start3A_479 : memref<1x32x512xf32, #tpu.memory_space<hbm>> -> memref<32x512xf32, #tpu.memory_space<hbm>>
    tpu.enqueue_dma source(%dma_start3A_480 : memref<32x512xf32, #tpu.memory_space<hbm>>) target(%dma_start3A_477 : memref<32x512xf32, #tpu.memory_space<vmem>>) target_semaphore(%arg8 : memref<!tpu.dma_semaphore, #tpu.memory_space<semaphore_mem>>)
    %scan3A = arith.constant 0 : i32
    %scan3A_481 = arith.constant 15 : i32
    %scan3A_482 = arith.addi %scan3A, %scan3A_481 : i32
    %scan3A_483 = arith.constant 1 : i32
    scf.for %scan3A_645 = %scan3A to %scan3A_482 step %scan3A_483  : i32 {
      %mul3A_646 = arith.constant 6 : i32
      %mul3A_647 = arith.muli %scan3A_645, %mul3A_646 : i32
      %add3A_648 = arith.constant 8 : i32
      %add3A_649 = arith.addi %add3A_648, %mul3A_647 : i32
      %add3A_650 = arith.constant 0 : i32
      %add3A_651 = arith.addi %add3A_649, %add3A_650 : i32
      %dma_wait3A_652 = arith.constant 0 : i32
      %dma_wait3A_653 = arith.constant 2 : i32
      %dma_wait3A_654 = arith.constant 0 : i32
      %dma_wait3A_655 = arith.constant 0 : i32
      %dma_wait3A_656 = tpu.memref_slice %arg4[%dma_wait3A_653, %dma_wait3A_654, %dma_wait3A_655] : memref<6x32x512xf32, #tpu.memory_space<vmem>> -> memref<1x32x512xf32, #tpu.memory_space<vmem>>
      %dma_wait3A_657 = tpu.memref_squeeze %dma_wait3A_656 : memref<1x32x512xf32, #tpu.memory_space<vmem>> -> memref<32x512xf32, #tpu.memory_space<vmem>>
      %dma_wait3A_658 = arith.constant 0 : i32
      %dma_wait3A_659 = tpu.memref_slice %arg2[%dma_wait3A_652, %dma_wait3A_658, %mul3A_2] : memref<100x64x16384xf32, #tpu.memory_space<hbm>> -> memref<1x32x512xf32, #tpu.memory_space<hbm>>
      %dma_wait3A_660 = tpu.memref_squeeze %dma_wait3A_659 : memref<1x32x512xf32, #tpu.memory_space<hbm>> -> memref<32x512xf32, #tpu.memory_space<hbm>>
      %dma_wait3A_661 = arith.constant 0 : i32
      %dma_wait3A_662 = arith.constant 0 : i32
      %dma_wait3A_663 = tpu.memref_slice %arg4[%dma_wait3A_653, %dma_wait3A_661, %dma_wait3A_662] : memref<6x32x512xf32, #tpu.memory_space<vmem>> -> memref<1x32x512xf32, #tpu.memory_space<vmem>>
      %dma_wait3A_664 = tpu.memref_squeeze %dma_wait3A_663 : memref<1x32x512xf32, #tpu.memory_space<vmem>> -> memref<32x512xf32, #tpu.memory_space<vmem>>
      %dma_wait3A_665 = arith.constant 0 : i32
      %dma_wait3A_666 = tpu.memref_slice %arg2[%dma_wait3A_652, %dma_wait3A_665, %mul3A_2] : memref<100x64x16384xf32, #tpu.memory_space<hbm>> -> memref<1x32x512xf32, #tpu.memory_space<hbm>>
      %dma_wait3A_667 = tpu.memref_squeeze %dma_wait3A_666 : memref<1x32x512xf32, #tpu.memory_space<hbm>> -> memref<32x512xf32, #tpu.memory_space<hbm>>
      tpu.wait_dma2 semaphore(%arg7 : memref<!tpu.dma_semaphore, #tpu.memory_space<semaphore_mem>>) src(%dma_wait3A_667 : memref<32x512xf32, #tpu.memory_space<hbm>>) dst(%dma_wait3A_664 : memref<32x512xf32, #tpu.memory_space<vmem>>)
      %dma_wait3A_668 = arith.constant 4 : i32
      %dma_wait3A_669 = arith.constant 0 : i32
      %dma_wait3A_670 = arith.constant 0 : i32
      %dma_wait3A_671 = arith.constant 0 : i32
      %dma_wait3A_672 = tpu.memref_slice %arg4[%dma_wait3A_668, %dma_wait3A_670, %dma_wait3A_671] : memref<6x32x512xf32, #tpu.memory_space<vmem>> -> memref<1x32x512xf32, #tpu.memory_space<vmem>>
      %dma_wait3A_673 = tpu.memref_squeeze %dma_wait3A_672 : memref<1x32x512xf32, #tpu.memory_space<vmem>> -> memref<32x512xf32, #tpu.memory_space<vmem>>
      %dma_wait3A_674 = arith.constant 0 : i32
      %dma_wait3A_675 = tpu.memref_slice %arg3[%dma_wait3A_669, %dma_wait3A_674, %mul3A_2] : memref<50x64x16384xf32, #tpu.memory_space<hbm>> -> memref<1x32x512xf32, #tpu.memory_space<hbm>>
      %dma_wait3A_676 = tpu.memref_squeeze %dma_wait3A_675 : memref<1x32x512xf32, #tpu.memory_space<hbm>> -> memref<32x512xf32, #tpu.memory_space<hbm>>
      %dma_wait3A_677 = arith.constant 0 : i32
      %dma_wait3A_678 = tpu.memref_slice %arg3[%dma_wait3A_669, %dma_wait3A_677, %mul3A_2] : memref<50x64x16384xf32, #tpu.memory_space<hbm>> -> memref<1x32x512xf32, #tpu.memory_space<hbm>>
      %dma_wait3A_679 = tpu.memref_squeeze %dma_wait3A_678 : memref<1x32x512xf32, #tpu.memory_space<hbm>> -> memref<32x512xf32, #tpu.memory_space<hbm>>
      %dma_wait3A_680 = arith.constant 0 : i32
      %dma_wait3A_681 = arith.constant 0 : i32
      %dma_wait3A_682 = tpu.memref_slice %arg4[%dma_wait3A_668, %dma_wait3A_680, %dma_wait3A_681] : memref<6x32x512xf32, #tpu.memory_space<vmem>> -> memref<1x32x512xf32, #tpu.memory_space<vmem>>
      %dma_wait3A_683 = tpu.memref_squeeze %dma_wait3A_682 : memref<1x32x512xf32, #tpu.memory_space<vmem>> -> memref<32x512xf32, #tpu.memory_space<vmem>>
      tpu.wait_dma2 semaphore(%arg15 : memref<!tpu.dma_semaphore, #tpu.memory_space<semaphore_mem>>) src(%dma_wait3A_683 : memref<32x512xf32, #tpu.memory_space<vmem>>) dst(%dma_wait3A_679 : memref<32x512xf32, #tpu.memory_space<hbm>>)
      %jit3A = arith.constant 2 : i32
      %div3A = arith.divsi %add3A_651, %jit3A : i32
      %sign3A = arith.constant 0 : i32
      %sign3A_684 = arith.cmpi sgt, %add3A_651, %sign3A : i32
      %sign3A_685 = arith.extui %sign3A_684 : i1 to i32
      %sign3A_686 = arith.constant 0 : i32
      %sign3A_687 = arith.cmpi slt, %add3A_651, %sign3A_686 : i32
      %sign3A_688 = arith.extui %sign3A_687 : i1 to i32
      %sign3A_689 = arith.subi %sign3A_685, %sign3A_688 : i32
      %sign3A_690 = arith.constant 0 : i32
      %sign3A_691 = arith.cmpi sgt, %jit3A, %sign3A_690 : i32
      %sign3A_692 = arith.extui %sign3A_691 : i1 to i32
      %sign3A_693 = arith.constant 0 : i32
      %sign3A_694 = arith.cmpi slt, %jit3A, %sign3A_693 : i32
      %sign3A_695 = arith.extui %sign3A_694 : i1 to i32
      %sign3A_696 = arith.subi %sign3A_692, %sign3A_695 : i32
      %ne3A = arith.cmpi ne, %sign3A_689, %sign3A_696 : i32
      %rem3A = arith.remsi %add3A_651, %jit3A : i32
      %ne3A_697 = arith.constant 0 : i32
      %ne3A_698 = arith.cmpi ne, %rem3A, %ne3A_697 : i32
      %and3A = arith.andi %ne3A, %ne3A_698 : i1
      %sub3A = arith.constant 1 : i32
      %sub3A_699 = arith.subi %div3A, %sub3A : i32
      %select_n3A = arith.select %and3A, %sub3A_699, %div3A : i32
      %jit3A_700 = arith.constant 2 : i32
      %eq3A = arith.constant 0 : i32
      %eq3A_701 = arith.cmpi eq, %jit3A_700, %eq3A : i32
      %jit3A_702 = arith.constant 1 : i32
      %select_n3A_703 = arith.select %eq3A_701, %jit3A_702, %jit3A_700 : i32
      %rem3A_704 = arith.remsi %add3A_651, %select_n3A_703 : i32
      %ne3A_705 = arith.constant 0 : i32
      %ne3A_706 = arith.cmpi ne, %rem3A_704, %ne3A_705 : i32
      %lt3A = arith.constant 0 : i32
      %lt3A_707 = arith.cmpi slt, %rem3A_704, %lt3A : i32
      %lt3A_708 = arith.constant 0 : i32
      %lt3A_709 = arith.cmpi slt, %select_n3A_703, %lt3A_708 : i32
      %ne3A_710 = arith.xori %lt3A_707, %lt3A_709 : i1
      %and3A_711 = arith.andi %ne3A_710, %ne3A_706 : i1
      %add3A_712 = arith.addi %rem3A_704, %select_n3A_703 : i32
      %select_n3A_713 = arith.select %and3A_711, %add3A_712, %rem3A_704 : i32
      %mul3A_714 = arith.constant 32 : i32
      %mul3A_715 = arith.muli %select_n3A_713, %mul3A_714 : i32
      %dma_start3A_716 = arith.constant 2 : i32
      %dma_start3A_717 = arith.constant 0 : i32
      %dma_start3A_718 = arith.constant 0 : i32
      %dma_start3A_719 = tpu.memref_slice %arg4[%dma_start3A_716, %dma_start3A_717, %dma_start3A_718] : memref<6x32x512xf32, #tpu.memory_space<vmem>> -> memref<1x32x512xf32, #tpu.memory_space<vmem>>
      %dma_start3A_720 = tpu.memref_squeeze %dma_start3A_719 : memref<1x32x512xf32, #tpu.memory_space<vmem>> -> memref<32x512xf32, #tpu.memory_space<vmem>>
      %dma_start3A_721 = tpu.memref_slice %arg3[%select_n3A, %mul3A_715, %mul3A_2] : memref<50x64x16384xf32, #tpu.memory_space<hbm>> -> memref<1x32x512xf32, #tpu.memory_space<hbm>>
      %dma_start3A_722 = tpu.memref_squeeze %dma_start3A_721 : memref<1x32x512xf32, #tpu.memory_space<hbm>> -> memref<32x512xf32, #tpu.memory_space<hbm>>
      %dma_start3A_723 = tpu.memref_slice %arg3[%select_n3A, %mul3A_715, %mul3A_2] : memref<50x64x16384xf32, #tpu.memory_space<hbm>> -> memref<1x32x512xf32, #tpu.memory_space<hbm>>
      %dma_start3A_724 = tpu.memref_squeeze %dma_start3A_723 : memref<1x32x512xf32, #tpu.memory_space<hbm>> -> memref<32x512xf32, #tpu.memory_space<hbm>>
      %dma_start3A_725 = arith.constant 0 : i32
      %dma_start3A_726 = arith.constant 0 : i32
      %dma_start3A_727 = tpu.memref_slice %arg4[%dma_start3A_716, %dma_start3A_725, %dma_start3A_726] : memref<6x32x512xf32, #tpu.memory_space<vmem>> -> memref<1x32x512xf32, #tpu.memory_space<vmem>>
      %dma_start3A_728 = tpu.memref_squeeze %dma_start3A_727 : memref<1x32x512xf32, #tpu.memory_space<vmem>> -> memref<32x512xf32, #tpu.memory_space<vmem>>
      tpu.enqueue_dma source(%dma_start3A_728 : memref<32x512xf32, #tpu.memory_space<vmem>>) target(%dma_start3A_724 : memref<32x512xf32, #tpu.memory_space<hbm>>) target_semaphore(%arg13 : memref<!tpu.dma_semaphore, #tpu.memory_space<semaphore_mem>>)
      %add3A_729 = arith.constant 2 : i32
      %add3A_730 = arith.addi %add3A_651, %add3A_729 : i32
      %jit3A_731 = arith.constant 2 : i32
      %div3A_732 = arith.divsi %add3A_730, %jit3A_731 : i32
      %sign3A_733 = arith.constant 0 : i32
      %sign3A_734 = arith.cmpi sgt, %add3A_730, %sign3A_733 : i32
      %sign3A_735 = arith.extui %sign3A_734 : i1 to i32
      %sign3A_736 = arith.constant 0 : i32
      %sign3A_737 = arith.cmpi slt, %add3A_730, %sign3A_736 : i32
      %sign3A_738 = arith.extui %sign3A_737 : i1 to i32
      %sign3A_739 = arith.subi %sign3A_735, %sign3A_738 : i32
      %sign3A_740 = arith.constant 0 : i32
      %sign3A_741 = arith.cmpi sgt, %jit3A_731, %sign3A_740 : i32
      %sign3A_742 = arith.extui %sign3A_741 : i1 to i32
      %sign3A_743 = arith.constant 0 : i32
      %sign3A_744 = arith.cmpi slt, %jit3A_731, %sign3A_743 : i32
      %sign3A_745 = arith.extui %sign3A_744 : i1 to i32
      %sign3A_746 = arith.subi %sign3A_742, %sign3A_745 : i32
      %ne3A_747 = arith.cmpi ne, %sign3A_739, %sign3A_746 : i32
      %rem3A_748 = arith.remsi %add3A_730, %jit3A_731 : i32
      %ne3A_749 = arith.constant 0 : i32
      %ne3A_750 = arith.cmpi ne, %rem3A_748, %ne3A_749 : i32
      %and3A_751 = arith.andi %ne3A_747, %ne3A_750 : i1
      %sub3A_752 = arith.constant 1 : i32
      %sub3A_753 = arith.subi %div3A_732, %sub3A_752 : i32
      %select_n3A_754 = arith.select %and3A_751, %sub3A_753, %div3A_732 : i32
      %mul3A_755 = arith.constant 2 : i32
      %mul3A_756 = arith.muli %mul3A_755, %select_n3A_754 : i32
      %jit3A_757 = arith.constant 2 : i32
      %eq3A_758 = arith.constant 0 : i32
      %eq3A_759 = arith.cmpi eq, %jit3A_757, %eq3A_758 : i32
      %jit3A_760 = arith.constant 1 : i32
      %select_n3A_761 = arith.select %eq3A_759, %jit3A_760, %jit3A_757 : i32
      %rem3A_762 = arith.remsi %add3A_730, %select_n3A_761 : i32
      %ne3A_763 = arith.constant 0 : i32
      %ne3A_764 = arith.cmpi ne, %rem3A_762, %ne3A_763 : i32
      %lt3A_765 = arith.constant 0 : i32
      %lt3A_766 = arith.cmpi slt, %rem3A_762, %lt3A_765 : i32
      %lt3A_767 = arith.constant 0 : i32
      %lt3A_768 = arith.cmpi slt, %select_n3A_761, %lt3A_767 : i32
      %ne3A_769 = arith.xori %lt3A_766, %lt3A_768 : i1
      %and3A_770 = arith.andi %ne3A_769, %ne3A_764 : i1
      %add3A_771 = arith.addi %rem3A_762, %select_n3A_761 : i32
      %select_n3A_772 = arith.select %and3A_770, %add3A_771, %rem3A_762 : i32
      %mul3A_773 = arith.constant 32 : i32
      %mul3A_774 = arith.muli %select_n3A_772, %mul3A_773 : i32
      %dma_start3A_775 = arith.constant 4 : i32
      %dma_start3A_776 = arith.constant 0 : i32
      %dma_start3A_777 = arith.constant 0 : i32
      %dma_start3A_778 = tpu.memref_slice %arg4[%dma_start3A_775, %dma_start3A_776, %dma_start3A_777] : memref<6x32x512xf32, #tpu.memory_space<vmem>> -> memref<1x32x512xf32, #tpu.memory_space<vmem>>
      %dma_start3A_779 = tpu.memref_squeeze %dma_start3A_778 : memref<1x32x512xf32, #tpu.memory_space<vmem>> -> memref<32x512xf32, #tpu.memory_space<vmem>>
      %dma_start3A_780 = tpu.memref_slice %arg2[%mul3A_756, %mul3A_774, %mul3A_2] : memref<100x64x16384xf32, #tpu.memory_space<hbm>> -> memref<1x32x512xf32, #tpu.memory_space<hbm>>
      %dma_start3A_781 = tpu.memref_squeeze %dma_start3A_780 : memref<1x32x512xf32, #tpu.memory_space<hbm>> -> memref<32x512xf32, #tpu.memory_space<hbm>>
      %dma_start3A_782 = arith.constant 0 : i32
      %dma_start3A_783 = arith.constant 0 : i32
      %dma_start3A_784 = tpu.memref_slice %arg4[%dma_start3A_775, %dma_start3A_782, %dma_start3A_783] : memref<6x32x512xf32, #tpu.memory_space<vmem>> -> memref<1x32x512xf32, #tpu.memory_space<vmem>>
      %dma_start3A_785 = tpu.memref_squeeze %dma_start3A_784 : memref<1x32x512xf32, #tpu.memory_space<vmem>> -> memref<32x512xf32, #tpu.memory_space<vmem>>
      %dma_start3A_786 = tpu.memref_slice %arg2[%mul3A_756, %mul3A_774, %mul3A_2] : memref<100x64x16384xf32, #tpu.memory_space<hbm>> -> memref<1x32x512xf32, #tpu.memory_space<hbm>>
      %dma_start3A_787 = tpu.memref_squeeze %dma_start3A_786 : memref<1x32x512xf32, #tpu.memory_space<hbm>> -> memref<32x512xf32, #tpu.memory_space<hbm>>
      tpu.enqueue_dma source(%dma_start3A_787 : memref<32x512xf32, #tpu.memory_space<hbm>>) target(%dma_start3A_785 : memref<32x512xf32, #tpu.memory_space<vmem>>) target_semaphore(%arg9 : memref<!tpu.dma_semaphore, #tpu.memory_space<semaphore_mem>>)
      %add3A_788 = arith.constant 1 : i32
      %add3A_789 = arith.addi %add3A_649, %add3A_788 : i32
      %dma_wait3A_790 = arith.constant 0 : i32
      %dma_wait3A_791 = arith.constant 3 : i32
      %dma_wait3A_792 = arith.constant 0 : i32
      %dma_wait3A_793 = arith.constant 0 : i32
      %dma_wait3A_794 = tpu.memref_slice %arg4[%dma_wait3A_791, %dma_wait3A_792, %dma_wait3A_793] : memref<6x32x512xf32, #tpu.memory_space<vmem>> -> memref<1x32x512xf32, #tpu.memory_space<vmem>>
      %dma_wait3A_795 = tpu.memref_squeeze %dma_wait3A_794 : memref<1x32x512xf32, #tpu.memory_space<vmem>> -> memref<32x512xf32, #tpu.memory_space<vmem>>
      %dma_wait3A_796 = arith.constant 0 : i32
      %dma_wait3A_797 = tpu.memref_slice %arg2[%dma_wait3A_790, %dma_wait3A_796, %mul3A_2] : memref<100x64x16384xf32, #tpu.memory_space<hbm>> -> memref<1x32x512xf32, #tpu.memory_space<hbm>>
      %dma_wait3A_798 = tpu.memref_squeeze %dma_wait3A_797 : memref<1x32x512xf32, #tpu.memory_space<hbm>> -> memref<32x512xf32, #tpu.memory_space<hbm>>
      %dma_wait3A_799 = arith.constant 0 : i32
      %dma_wait3A_800 = arith.constant 0 : i32
      %dma_wait3A_801 = tpu.memref_slice %arg4[%dma_wait3A_791, %dma_wait3A_799, %dma_wait3A_800] : memref<6x32x512xf32, #tpu.memory_space<vmem>> -> memref<1x32x512xf32, #tpu.memory_space<vmem>>
      %dma_wait3A_802 = tpu.memref_squeeze %dma_wait3A_801 : memref<1x32x512xf32, #tpu.memory_space<vmem>> -> memref<32x512xf32, #tpu.memory_space<vmem>>
      %dma_wait3A_803 = arith.constant 0 : i32
      %dma_wait3A_804 = tpu.memref_slice %arg2[%dma_wait3A_790, %dma_wait3A_803, %mul3A_2] : memref<100x64x16384xf32, #tpu.memory_space<hbm>> -> memref<1x32x512xf32, #tpu.memory_space<hbm>>
      %dma_wait3A_805 = tpu.memref_squeeze %dma_wait3A_804 : memref<1x32x512xf32, #tpu.memory_space<hbm>> -> memref<32x512xf32, #tpu.memory_space<hbm>>
      tpu.wait_dma2 semaphore(%arg8 : memref<!tpu.dma_semaphore, #tpu.memory_space<semaphore_mem>>) src(%dma_wait3A_805 : memref<32x512xf32, #tpu.memory_space<hbm>>) dst(%dma_wait3A_802 : memref<32x512xf32, #tpu.memory_space<vmem>>)
      %dma_wait3A_806 = arith.constant 5 : i32
      %dma_wait3A_807 = arith.constant 0 : i32
      %dma_wait3A_808 = arith.constant 0 : i32
      %dma_wait3A_809 = arith.constant 0 : i32
      %dma_wait3A_810 = tpu.memref_slice %arg4[%dma_wait3A_806, %dma_wait3A_808, %dma_wait3A_809] : memref<6x32x512xf32, #tpu.memory_space<vmem>> -> memref<1x32x512xf32, #tpu.memory_space<vmem>>
      %dma_wait3A_811 = tpu.memref_squeeze %dma_wait3A_810 : memref<1x32x512xf32, #tpu.memory_space<vmem>> -> memref<32x512xf32, #tpu.memory_space<vmem>>
      %dma_wait3A_812 = arith.constant 0 : i32
      %dma_wait3A_813 = tpu.memref_slice %arg3[%dma_wait3A_807, %dma_wait3A_812, %mul3A_2] : memref<50x64x16384xf32, #tpu.memory_space<hbm>> -> memref<1x32x512xf32, #tpu.memory_space<hbm>>
      %dma_wait3A_814 = tpu.memref_squeeze %dma_wait3A_813 : memref<1x32x512xf32, #tpu.memory_space<hbm>> -> memref<32x512xf32, #tpu.memory_space<hbm>>
      %dma_wait3A_815 = arith.constant 0 : i32
      %dma_wait3A_816 = tpu.memref_slice %arg3[%dma_wait3A_807, %dma_wait3A_815, %mul3A_2] : memref<50x64x16384xf32, #tpu.memory_space<hbm>> -> memref<1x32x512xf32, #tpu.memory_space<hbm>>
      %dma_wait3A_817 = tpu.memref_squeeze %dma_wait3A_816 : memref<1x32x512xf32, #tpu.memory_space<hbm>> -> memref<32x512xf32, #tpu.memory_space<hbm>>
      %dma_wait3A_818 = arith.constant 0 : i32
      %dma_wait3A_819 = arith.constant 0 : i32
      %dma_wait3A_820 = tpu.memref_slice %arg4[%dma_wait3A_806, %dma_wait3A_818, %dma_wait3A_819] : memref<6x32x512xf32, #tpu.memory_space<vmem>> -> memref<1x32x512xf32, #tpu.memory_space<vmem>>
      %dma_wait3A_821 = tpu.memref_squeeze %dma_wait3A_820 : memref<1x32x512xf32, #tpu.memory_space<vmem>> -> memref<32x512xf32, #tpu.memory_space<vmem>>
      tpu.wait_dma2 semaphore(%arg16 : memref<!tpu.dma_semaphore, #tpu.memory_space<semaphore_mem>>) src(%dma_wait3A_821 : memref<32x512xf32, #tpu.memory_space<vmem>>) dst(%dma_wait3A_817 : memref<32x512xf32, #tpu.memory_space<hbm>>)
      %jit3A_822 = arith.constant 2 : i32
      %div3A_823 = arith.divsi %add3A_789, %jit3A_822 : i32
      %sign3A_824 = arith.constant 0 : i32
      %sign3A_825 = arith.cmpi sgt, %add3A_789, %sign3A_824 : i32
      %sign3A_826 = arith.extui %sign3A_825 : i1 to i32
      %sign3A_827 = arith.constant 0 : i32
      %sign3A_828 = arith.cmpi slt, %add3A_789, %sign3A_827 : i32
      %sign3A_829 = arith.extui %sign3A_828 : i1 to i32
      %sign3A_830 = arith.subi %sign3A_826, %sign3A_829 : i32
      %sign3A_831 = arith.constant 0 : i32
      %sign3A_832 = arith.cmpi sgt, %jit3A_822, %sign3A_831 : i32
      %sign3A_833 = arith.extui %sign3A_832 : i1 to i32
      %sign3A_834 = arith.constant 0 : i32
      %sign3A_835 = arith.cmpi slt, %jit3A_822, %sign3A_834 : i32
      %sign3A_836 = arith.extui %sign3A_835 : i1 to i32
      %sign3A_837 = arith.subi %sign3A_833, %sign3A_836 : i32
      %ne3A_838 = arith.cmpi ne, %sign3A_830, %sign3A_837 : i32
      %rem3A_839 = arith.remsi %add3A_789, %jit3A_822 : i32
      %ne3A_840 = arith.constant 0 : i32
      %ne3A_841 = arith.cmpi ne, %rem3A_839, %ne3A_840 : i32
      %and3A_842 = arith.andi %ne3A_838, %ne3A_841 : i1
      %sub3A_843 = arith.constant 1 : i32
      %sub3A_844 = arith.subi %div3A_823, %sub3A_843 : i32
      %select_n3A_845 = arith.select %and3A_842, %sub3A_844, %div3A_823 : i32
      %jit3A_846 = arith.constant 2 : i32
      %eq3A_847 = arith.constant 0 : i32
      %eq3A_848 = arith.cmpi eq, %jit3A_846, %eq3A_847 : i32
      %jit3A_849 = arith.constant 1 : i32
      %select_n3A_850 = arith.select %eq3A_848, %jit3A_849, %jit3A_846 : i32
      %rem3A_851 = arith.remsi %add3A_789, %select_n3A_850 : i32
      %ne3A_852 = arith.constant 0 : i32
      %ne3A_853 = arith.cmpi ne, %rem3A_851, %ne3A_852 : i32
      %lt3A_854 = arith.constant 0 : i32
      %lt3A_855 = arith.cmpi slt, %rem3A_851, %lt3A_854 : i32
      %lt3A_856 = arith.constant 0 : i32
      %lt3A_857 = arith.cmpi slt, %select_n3A_850, %lt3A_856 : i32
      %ne3A_858 = arith.xori %lt3A_855, %lt3A_857 : i1
      %and3A_859 = arith.andi %ne3A_858, %ne3A_853 : i1
      %add3A_860 = arith.addi %rem3A_851, %select_n3A_850 : i32
      %select_n3A_861 = arith.select %and3A_859, %add3A_860, %rem3A_851 : i32
      %mul3A_862 = arith.constant 32 : i32
      %mul3A_863 = arith.muli %select_n3A_861, %mul3A_862 : i32
      %dma_start3A_864 = arith.constant 3 : i32
      %dma_start3A_865 = arith.constant 0 : i32
      %dma_start3A_866 = arith.constant 0 : i32
      %dma_start3A_867 = tpu.memref_slice %arg4[%dma_start3A_864, %dma_start3A_865, %dma_start3A_866] : memref<6x32x512xf32, #tpu.memory_space<vmem>> -> memref<1x32x512xf32, #tpu.memory_space<vmem>>
      %dma_start3A_868 = tpu.memref_squeeze %dma_start3A_867 : memref<1x32x512xf32, #tpu.memory_space<vmem>> -> memref<32x512xf32, #tpu.memory_space<vmem>>
      %dma_start3A_869 = tpu.memref_slice %arg3[%select_n3A_845, %mul3A_863, %mul3A_2] : memref<50x64x16384xf32, #tpu.memory_space<hbm>> -> memref<1x32x512xf32, #tpu.memory_space<hbm>>
      %dma_start3A_870 = tpu.memref_squeeze %dma_start3A_869 : memref<1x32x512xf32, #tpu.memory_space<hbm>> -> memref<32x512xf32, #tpu.memory_space<hbm>>
      %dma_start3A_871 = tpu.memref_slice %arg3[%select_n3A_845, %mul3A_863, %mul3A_2] : memref<50x64x16384xf32, #tpu.memory_space<hbm>> -> memref<1x32x512xf32, #tpu.memory_space<hbm>>
      %dma_start3A_872 = tpu.memref_squeeze %dma_start3A_871 : memref<1x32x512xf32, #tpu.memory_space<hbm>> -> memref<32x512xf32, #tpu.memory_space<hbm>>
      %dma_start3A_873 = arith.constant 0 : i32
      %dma_start3A_874 = arith.constant 0 : i32
      %dma_start3A_875 = tpu.memref_slice %arg4[%dma_start3A_864, %dma_start3A_873, %dma_start3A_874] : memref<6x32x512xf32, #tpu.memory_space<vmem>> -> memref<1x32x512xf32, #tpu.memory_space<vmem>>
      %dma_start3A_876 = tpu.memref_squeeze %dma_start3A_875 : memref<1x32x512xf32, #tpu.memory_space<vmem>> -> memref<32x512xf32, #tpu.memory_space<vmem>>
      tpu.enqueue_dma source(%dma_start3A_876 : memref<32x512xf32, #tpu.memory_space<vmem>>) target(%dma_start3A_872 : memref<32x512xf32, #tpu.memory_space<hbm>>) target_semaphore(%arg14 : memref<!tpu.dma_semaphore, #tpu.memory_space<semaphore_mem>>)
      %add3A_877 = arith.constant 2 : i32
      %add3A_878 = arith.addi %add3A_789, %add3A_877 : i32
      %jit3A_879 = arith.constant 2 : i32
      %div3A_880 = arith.divsi %add3A_878, %jit3A_879 : i32
      %sign3A_881 = arith.constant 0 : i32
      %sign3A_882 = arith.cmpi sgt, %add3A_878, %sign3A_881 : i32
      %sign3A_883 = arith.extui %sign3A_882 : i1 to i32
      %sign3A_884 = arith.constant 0 : i32
      %sign3A_885 = arith.cmpi slt, %add3A_878, %sign3A_884 : i32
      %sign3A_886 = arith.extui %sign3A_885 : i1 to i32
      %sign3A_887 = arith.subi %sign3A_883, %sign3A_886 : i32
      %sign3A_888 = arith.constant 0 : i32
      %sign3A_889 = arith.cmpi sgt, %jit3A_879, %sign3A_888 : i32
      %sign3A_890 = arith.extui %sign3A_889 : i1 to i32
      %sign3A_891 = arith.constant 0 : i32
      %sign3A_892 = arith.cmpi slt, %jit3A_879, %sign3A_891 : i32
      %sign3A_893 = arith.extui %sign3A_892 : i1 to i32
      %sign3A_894 = arith.subi %sign3A_890, %sign3A_893 : i32
      %ne3A_895 = arith.cmpi ne, %sign3A_887, %sign3A_894 : i32
      %rem3A_896 = arith.remsi %add3A_878, %jit3A_879 : i32
      %ne3A_897 = arith.constant 0 : i32
      %ne3A_898 = arith.cmpi ne, %rem3A_896, %ne3A_897 : i32
      %and3A_899 = arith.andi %ne3A_895, %ne3A_898 : i1
      %sub3A_900 = arith.constant 1 : i32
      %sub3A_901 = arith.subi %div3A_880, %sub3A_900 : i32
      %select_n3A_902 = arith.select %and3A_899, %sub3A_901, %div3A_880 : i32
      %mul3A_903 = arith.constant 2 : i32
      %mul3A_904 = arith.muli %mul3A_903, %select_n3A_902 : i32
      %jit3A_905 = arith.constant 2 : i32
      %eq3A_906 = arith.constant 0 : i32
      %eq3A_907 = arith.cmpi eq, %jit3A_905, %eq3A_906 : i32
      %jit3A_908 = arith.constant 1 : i32
      %select_n3A_909 = arith.select %eq3A_907, %jit3A_908, %jit3A_905 : i32
      %rem3A_910 = arith.remsi %add3A_878, %select_n3A_909 : i32
      %ne3A_911 = arith.constant 0 : i32
      %ne3A_912 = arith.cmpi ne, %rem3A_910, %ne3A_911 : i32
      %lt3A_913 = arith.constant 0 : i32
      %lt3A_914 = arith.cmpi slt, %rem3A_910, %lt3A_913 : i32
      %lt3A_915 = arith.constant 0 : i32
      %lt3A_916 = arith.cmpi slt, %select_n3A_909, %lt3A_915 : i32
      %ne3A_917 = arith.xori %lt3A_914, %lt3A_916 : i1
      %and3A_918 = arith.andi %ne3A_917, %ne3A_912 : i1
      %add3A_919 = arith.addi %rem3A_910, %select_n3A_909 : i32
      %select_n3A_920 = arith.select %and3A_918, %add3A_919, %rem3A_910 : i32
      %mul3A_921 = arith.constant 32 : i32
      %mul3A_922 = arith.muli %select_n3A_920, %mul3A_921 : i32
      %dma_start3A_923 = arith.constant 5 : i32
      %dma_start3A_924 = arith.constant 0 : i32
      %dma_start3A_925 = arith.constant 0 : i32
      %dma_start3A_926 = tpu.memref_slice %arg4[%dma_start3A_923, %dma_start3A_924, %dma_start3A_925] : memref<6x32x512xf32, #tpu.memory_space<vmem>> -> memref<1x32x512xf32, #tpu.memory_space<vmem>>
      %dma_start3A_927 = tpu.memref_squeeze %dma_start3A_926 : memref<1x32x512xf32, #tpu.memory_space<vmem>> -> memref<32x512xf32, #tpu.memory_space<vmem>>
      %dma_start3A_928 = tpu.memref_slice %arg2[%mul3A_904, %mul3A_922, %mul3A_2] : memref<100x64x16384xf32, #tpu.memory_space<hbm>> -> memref<1x32x512xf32, #tpu.memory_space<hbm>>
      %dma_start3A_929 = tpu.memref_squeeze %dma_start3A_928 : memref<1x32x512xf32, #tpu.memory_space<hbm>> -> memref<32x512xf32, #tpu.memory_space<hbm>>
      %dma_start3A_930 = arith.constant 0 : i32
      %dma_start3A_931 = arith.constant 0 : i32
      %dma_start3A_932 = tpu.memref_slice %arg4[%dma_start3A_923, %dma_start3A_930, %dma_start3A_931] : memref<6x32x512xf32, #tpu.memory_space<vmem>> -> memref<1x32x512xf32, #tpu.memory_space<vmem>>
      %dma_start3A_933 = tpu.memref_squeeze %dma_start3A_932 : memref<1x32x512xf32, #tpu.memory_space<vmem>> -> memref<32x512xf32, #tpu.memory_space<vmem>>
      %dma_start3A_934 = tpu.memref_slice %arg2[%mul3A_904, %mul3A_922, %mul3A_2] : memref<100x64x16384xf32, #tpu.memory_space<hbm>> -> memref<1x32x512xf32, #tpu.memory_space<hbm>>
      %dma_start3A_935 = tpu.memref_squeeze %dma_start3A_934 : memref<1x32x512xf32, #tpu.memory_space<hbm>> -> memref<32x512xf32, #tpu.memory_space<hbm>>
      tpu.enqueue_dma source(%dma_start3A_935 : memref<32x512xf32, #tpu.memory_space<hbm>>) target(%dma_start3A_933 : memref<32x512xf32, #tpu.memory_space<vmem>>) target_semaphore(%arg10 : memref<!tpu.dma_semaphore, #tpu.memory_space<semaphore_mem>>)
      %add3A_936 = arith.constant 2 : i32
      %add3A_937 = arith.addi %add3A_649, %add3A_936 : i32
      %dma_wait3A_938 = arith.constant 0 : i32
      %dma_wait3A_939 = arith.constant 4 : i32
      %dma_wait3A_940 = arith.constant 0 : i32
      %dma_wait3A_941 = arith.constant 0 : i32
      %dma_wait3A_942 = tpu.memref_slice %arg4[%dma_wait3A_939, %dma_wait3A_940, %dma_wait3A_941] : memref<6x32x512xf32, #tpu.memory_space<vmem>> -> memref<1x32x512xf32, #tpu.memory_space<vmem>>
      %dma_wait3A_943 = tpu.memref_squeeze %dma_wait3A_942 : memref<1x32x512xf32, #tpu.memory_space<vmem>> -> memref<32x512xf32, #tpu.memory_space<vmem>>
      %dma_wait3A_944 = arith.constant 0 : i32
      %dma_wait3A_945 = tpu.memref_slice %arg2[%dma_wait3A_938, %dma_wait3A_944, %mul3A_2] : memref<100x64x16384xf32, #tpu.memory_space<hbm>> -> memref<1x32x512xf32, #tpu.memory_space<hbm>>
      %dma_wait3A_946 = tpu.memref_squeeze %dma_wait3A_945 : memref<1x32x512xf32, #tpu.memory_space<hbm>> -> memref<32x512xf32, #tpu.memory_space<hbm>>
      %dma_wait3A_947 = arith.constant 0 : i32
      %dma_wait3A_948 = arith.constant 0 : i32
      %dma_wait3A_949 = tpu.memref_slice %arg4[%dma_wait3A_939, %dma_wait3A_947, %dma_wait3A_948] : memref<6x32x512xf32, #tpu.memory_space<vmem>> -> memref<1x32x512xf32, #tpu.memory_space<vmem>>
      %dma_wait3A_950 = tpu.memref_squeeze %dma_wait3A_949 : memref<1x32x512xf32, #tpu.memory_space<vmem>> -> memref<32x512xf32, #tpu.memory_space<vmem>>
      %dma_wait3A_951 = arith.constant 0 : i32
      %dma_wait3A_952 = tpu.memref_slice %arg2[%dma_wait3A_938, %dma_wait3A_951, %mul3A_2] : memref<100x64x16384xf32, #tpu.memory_space<hbm>> -> memref<1x32x512xf32, #tpu.memory_space<hbm>>
      %dma_wait3A_953 = tpu.memref_squeeze %dma_wait3A_952 : memref<1x32x512xf32, #tpu.memory_space<hbm>> -> memref<32x512xf32, #tpu.memory_space<hbm>>
      tpu.wait_dma2 semaphore(%arg9 : memref<!tpu.dma_semaphore, #tpu.memory_space<semaphore_mem>>) src(%dma_wait3A_953 : memref<32x512xf32, #tpu.memory_space<hbm>>) dst(%dma_wait3A_950 : memref<32x512xf32, #tpu.memory_space<vmem>>)
      %dma_wait3A_954 = arith.constant 0 : i32
      %dma_wait3A_955 = arith.constant 0 : i32
      %dma_wait3A_956 = arith.constant 0 : i32
      %dma_wait3A_957 = arith.constant 0 : i32
      %dma_wait3A_958 = tpu.memref_slice %arg4[%dma_wait3A_954, %dma_wait3A_956, %dma_wait3A_957] : memref<6x32x512xf32, #tpu.memory_space<vmem>> -> memref<1x32x512xf32, #tpu.memory_space<vmem>>
      %dma_wait3A_959 = tpu.memref_squeeze %dma_wait3A_958 : memref<1x32x512xf32, #tpu.memory_space<vmem>> -> memref<32x512xf32, #tpu.memory_space<vmem>>
      %dma_wait3A_960 = arith.constant 0 : i32
      %dma_wait3A_961 = tpu.memref_slice %arg3[%dma_wait3A_955, %dma_wait3A_960, %mul3A_2] : memref<50x64x16384xf32, #tpu.memory_space<hbm>> -> memref<1x32x512xf32, #tpu.memory_space<hbm>>
      %dma_wait3A_962 = tpu.memref_squeeze %dma_wait3A_961 : memref<1x32x512xf32, #tpu.memory_space<hbm>> -> memref<32x512xf32, #tpu.memory_space<hbm>>
      %dma_wait3A_963 = arith.constant 0 : i32
      %dma_wait3A_964 = tpu.memref_slice %arg3[%dma_wait3A_955, %dma_wait3A_963, %mul3A_2] : memref<50x64x16384xf32, #tpu.memory_space<hbm>> -> memref<1x32x512xf32, #tpu.memory_space<hbm>>
      %dma_wait3A_965 = tpu.memref_squeeze %dma_wait3A_964 : memref<1x32x512xf32, #tpu.memory_space<hbm>> -> memref<32x512xf32, #tpu.memory_space<hbm>>
      %dma_wait3A_966 = arith.constant 0 : i32
      %dma_wait3A_967 = arith.constant 0 : i32
      %dma_wait3A_968 = tpu.memref_slice %arg4[%dma_wait3A_954, %dma_wait3A_966, %dma_wait3A_967] : memref<6x32x512xf32, #tpu.memory_space<vmem>> -> memref<1x32x512xf32, #tpu.memory_space<vmem>>
      %dma_wait3A_969 = tpu.memref_squeeze %dma_wait3A_968 : memref<1x32x512xf32, #tpu.memory_space<vmem>> -> memref<32x512xf32, #tpu.memory_space<vmem>>
      tpu.wait_dma2 semaphore(%arg11 : memref<!tpu.dma_semaphore, #tpu.memory_space<semaphore_mem>>) src(%dma_wait3A_969 : memref<32x512xf32, #tpu.memory_space<vmem>>) dst(%dma_wait3A_965 : memref<32x512xf32, #tpu.memory_space<hbm>>)
      %jit3A_970 = arith.constant 2 : i32
      %div3A_971 = arith.divsi %add3A_937, %jit3A_970 : i32
      %sign3A_972 = arith.constant 0 : i32
      %sign3A_973 = arith.cmpi sgt, %add3A_937, %sign3A_972 : i32
      %sign3A_974 = arith.extui %sign3A_973 : i1 to i32
      %sign3A_975 = arith.constant 0 : i32
      %sign3A_976 = arith.cmpi slt, %add3A_937, %sign3A_975 : i32
      %sign3A_977 = arith.extui %sign3A_976 : i1 to i32
      %sign3A_978 = arith.subi %sign3A_974, %sign3A_977 : i32
      %sign3A_979 = arith.constant 0 : i32
      %sign3A_980 = arith.cmpi sgt, %jit3A_970, %sign3A_979 : i32
      %sign3A_981 = arith.extui %sign3A_980 : i1 to i32
      %sign3A_982 = arith.constant 0 : i32
      %sign3A_983 = arith.cmpi slt, %jit3A_970, %sign3A_982 : i32
      %sign3A_984 = arith.extui %sign3A_983 : i1 to i32
      %sign3A_985 = arith.subi %sign3A_981, %sign3A_984 : i32
      %ne3A_986 = arith.cmpi ne, %sign3A_978, %sign3A_985 : i32
      %rem3A_987 = arith.remsi %add3A_937, %jit3A_970 : i32
      %ne3A_988 = arith.constant 0 : i32
      %ne3A_989 = arith.cmpi ne, %rem3A_987, %ne3A_988 : i32
      %and3A_990 = arith.andi %ne3A_986, %ne3A_989 : i1
      %sub3A_991 = arith.constant 1 : i32
      %sub3A_992 = arith.subi %div3A_971, %sub3A_991 : i32
      %select_n3A_993 = arith.select %and3A_990, %sub3A_992, %div3A_971 : i32
      %jit3A_994 = arith.constant 2 : i32
      %eq3A_995 = arith.constant 0 : i32
      %eq3A_996 = arith.cmpi eq, %jit3A_994, %eq3A_995 : i32
      %jit3A_997 = arith.constant 1 : i32
      %select_n3A_998 = arith.select %eq3A_996, %jit3A_997, %jit3A_994 : i32
      %rem3A_999 = arith.remsi %add3A_937, %select_n3A_998 : i32
      %ne3A_1000 = arith.constant 0 : i32
      %ne3A_1001 = arith.cmpi ne, %rem3A_999, %ne3A_1000 : i32
      %lt3A_1002 = arith.constant 0 : i32
      %lt3A_1003 = arith.cmpi slt, %rem3A_999, %lt3A_1002 : i32
      %lt3A_1004 = arith.constant 0 : i32
      %lt3A_1005 = arith.cmpi slt, %select_n3A_998, %lt3A_1004 : i32
      %ne3A_1006 = arith.xori %lt3A_1003, %lt3A_1005 : i1
      %and3A_1007 = arith.andi %ne3A_1006, %ne3A_1001 : i1
      %add3A_1008 = arith.addi %rem3A_999, %select_n3A_998 : i32
      %select_n3A_1009 = arith.select %and3A_1007, %add3A_1008, %rem3A_999 : i32
      %mul3A_1010 = arith.constant 32 : i32
      %mul3A_1011 = arith.muli %select_n3A_1009, %mul3A_1010 : i32
      %dma_start3A_1012 = arith.constant 4 : i32
      %dma_start3A_1013 = arith.constant 0 : i32
      %dma_start3A_1014 = arith.constant 0 : i32
      %dma_start3A_1015 = tpu.memref_slice %arg4[%dma_start3A_1012, %dma_start3A_1013, %dma_start3A_1014] : memref<6x32x512xf32, #tpu.memory_space<vmem>> -> memref<1x32x512xf32, #tpu.memory_space<vmem>>
      %dma_start3A_1016 = tpu.memref_squeeze %dma_start3A_1015 : memref<1x32x512xf32, #tpu.memory_space<vmem>> -> memref<32x512xf32, #tpu.memory_space<vmem>>
      %dma_start3A_1017 = tpu.memref_slice %arg3[%select_n3A_993, %mul3A_1011, %mul3A_2] : memref<50x64x16384xf32, #tpu.memory_space<hbm>> -> memref<1x32x512xf32, #tpu.memory_space<hbm>>
      %dma_start3A_1018 = tpu.memref_squeeze %dma_start3A_1017 : memref<1x32x512xf32, #tpu.memory_space<hbm>> -> memref<32x512xf32, #tpu.memory_space<hbm>>
      %dma_start3A_1019 = tpu.memref_slice %arg3[%select_n3A_993, %mul3A_1011, %mul3A_2] : memref<50x64x16384xf32, #tpu.memory_space<hbm>> -> memref<1x32x512xf32, #tpu.memory_space<hbm>>
      %dma_start3A_1020 = tpu.memref_squeeze %dma_start3A_1019 : memref<1x32x512xf32, #tpu.memory_space<hbm>> -> memref<32x512xf32, #tpu.memory_space<hbm>>
      %dma_start3A_1021 = arith.constant 0 : i32
      %dma_start3A_1022 = arith.constant 0 : i32
      %dma_start3A_1023 = tpu.memref_slice %arg4[%dma_start3A_1012, %dma_start3A_1021, %dma_start3A_1022] : memref<6x32x512xf32, #tpu.memory_space<vmem>> -> memref<1x32x512xf32, #tpu.memory_space<vmem>>
      %dma_start3A_1024 = tpu.memref_squeeze %dma_start3A_1023 : memref<1x32x512xf32, #tpu.memory_space<vmem>> -> memref<32x512xf32, #tpu.memory_space<vmem>>
      tpu.enqueue_dma source(%dma_start3A_1024 : memref<32x512xf32, #tpu.memory_space<vmem>>) target(%dma_start3A_1020 : memref<32x512xf32, #tpu.memory_space<hbm>>) target_semaphore(%arg15 : memref<!tpu.dma_semaphore, #tpu.memory_space<semaphore_mem>>)
      %add3A_1025 = arith.constant 2 : i32
      %add3A_1026 = arith.addi %add3A_937, %add3A_1025 : i32
      %jit3A_1027 = arith.constant 2 : i32
      %div3A_1028 = arith.divsi %add3A_1026, %jit3A_1027 : i32
      %sign3A_1029 = arith.constant 0 : i32
      %sign3A_1030 = arith.cmpi sgt, %add3A_1026, %sign3A_1029 : i32
      %sign3A_1031 = arith.extui %sign3A_1030 : i1 to i32
      %sign3A_1032 = arith.constant 0 : i32
      %sign3A_1033 = arith.cmpi slt, %add3A_1026, %sign3A_1032 : i32
      %sign3A_1034 = arith.extui %sign3A_1033 : i1 to i32
      %sign3A_1035 = arith.subi %sign3A_1031, %sign3A_1034 : i32
      %sign3A_1036 = arith.constant 0 : i32
      %sign3A_1037 = arith.cmpi sgt, %jit3A_1027, %sign3A_1036 : i32
      %sign3A_1038 = arith.extui %sign3A_1037 : i1 to i32
      %sign3A_1039 = arith.constant 0 : i32
      %sign3A_1040 = arith.cmpi slt, %jit3A_1027, %sign3A_1039 : i32
      %sign3A_1041 = arith.extui %sign3A_1040 : i1 to i32
      %sign3A_1042 = arith.subi %sign3A_1038, %sign3A_1041 : i32
      %ne3A_1043 = arith.cmpi ne, %sign3A_1035, %sign3A_1042 : i32
      %rem3A_1044 = arith.remsi %add3A_1026, %jit3A_1027 : i32
      %ne3A_1045 = arith.constant 0 : i32
      %ne3A_1046 = arith.cmpi ne, %rem3A_1044, %ne3A_1045 : i32
      %and3A_1047 = arith.andi %ne3A_1043, %ne3A_1046 : i1
      %sub3A_1048 = arith.constant 1 : i32
      %sub3A_1049 = arith.subi %div3A_1028, %sub3A_1048 : i32
      %select_n3A_1050 = arith.select %and3A_1047, %sub3A_1049, %div3A_1028 : i32
      %mul3A_1051 = arith.constant 2 : i32
      %mul3A_1052 = arith.muli %mul3A_1051, %select_n3A_1050 : i32
      %jit3A_1053 = arith.constant 2 : i32
      %eq3A_1054 = arith.constant 0 : i32
      %eq3A_1055 = arith.cmpi eq, %jit3A_1053, %eq3A_1054 : i32
      %jit3A_1056 = arith.constant 1 : i32
      %select_n3A_1057 = arith.select %eq3A_1055, %jit3A_1056, %jit3A_1053 : i32
      %rem3A_1058 = arith.remsi %add3A_1026, %select_n3A_1057 : i32
      %ne3A_1059 = arith.constant 0 : i32
      %ne3A_1060 = arith.cmpi ne, %rem3A_1058, %ne3A_1059 : i32
      %lt3A_1061 = arith.constant 0 : i32
      %lt3A_1062 = arith.cmpi slt, %rem3A_1058, %lt3A_1061 : i32
      %lt3A_1063 = arith.constant 0 : i32
      %lt3A_1064 = arith.cmpi slt, %select_n3A_1057, %lt3A_1063 : i32
      %ne3A_1065 = arith.xori %lt3A_1062, %lt3A_1064 : i1
      %and3A_1066 = arith.andi %ne3A_1065, %ne3A_1060 : i1
      %add3A_1067 = arith.addi %rem3A_1058, %select_n3A_1057 : i32
      %select_n3A_1068 = arith.select %and3A_1066, %add3A_1067, %rem3A_1058 : i32
      %mul3A_1069 = arith.constant 32 : i32
      %mul3A_1070 = arith.muli %select_n3A_1068, %mul3A_1069 : i32
      %dma_start3A_1071 = arith.constant 0 : i32
      %dma_start3A_1072 = arith.constant 0 : i32
      %dma_start3A_1073 = arith.constant 0 : i32
      %dma_start3A_1074 = tpu.memref_slice %arg4[%dma_start3A_1071, %dma_start3A_1072, %dma_start3A_1073] : memref<6x32x512xf32, #tpu.memory_space<vmem>> -> memref<1x32x512xf32, #tpu.memory_space<vmem>>
      %dma_start3A_1075 = tpu.memref_squeeze %dma_start3A_1074 : memref<1x32x512xf32, #tpu.memory_space<vmem>> -> memref<32x512xf32, #tpu.memory_space<vmem>>
      %dma_start3A_1076 = tpu.memref_slice %arg2[%mul3A_1052, %mul3A_1070, %mul3A_2] : memref<100x64x16384xf32, #tpu.memory_space<hbm>> -> memref<1x32x512xf32, #tpu.memory_space<hbm>>
      %dma_start3A_1077 = tpu.memref_squeeze %dma_start3A_1076 : memref<1x32x512xf32, #tpu.memory_space<hbm>> -> memref<32x512xf32, #tpu.memory_space<hbm>>
      %dma_start3A_1078 = arith.constant 0 : i32
      %dma_start3A_1079 = arith.constant 0 : i32
      %dma_start3A_1080 = tpu.memref_slice %arg4[%dma_start3A_1071, %dma_start3A_1078, %dma_start3A_1079] : memref<6x32x512xf32, #tpu.memory_space<vmem>> -> memref<1x32x512xf32, #tpu.memory_space<vmem>>
      %dma_start3A_1081 = tpu.memref_squeeze %dma_start3A_1080 : memref<1x32x512xf32, #tpu.memory_space<vmem>> -> memref<32x512xf32, #tpu.memory_space<vmem>>
      %dma_start3A_1082 = tpu.memref_slice %arg2[%mul3A_1052, %mul3A_1070, %mul3A_2] : memref<100x64x16384xf32, #tpu.memory_space<hbm>> -> memref<1x32x512xf32, #tpu.memory_space<hbm>>
      %dma_start3A_1083 = tpu.memref_squeeze %dma_start3A_1082 : memref<1x32x512xf32, #tpu.memory_space<hbm>> -> memref<32x512xf32, #tpu.memory_space<hbm>>
      tpu.enqueue_dma source(%dma_start3A_1083 : memref<32x512xf32, #tpu.memory_space<hbm>>) target(%dma_start3A_1081 : memref<32x512xf32, #tpu.memory_space<vmem>>) target_semaphore(%arg5 : memref<!tpu.dma_semaphore, #tpu.memory_space<semaphore_mem>>)
      %add3A_1084 = arith.constant 3 : i32
      %add3A_1085 = arith.addi %add3A_649, %add3A_1084 : i32
      %dma_wait3A_1086 = arith.constant 0 : i32
      %dma_wait3A_1087 = arith.constant 5 : i32
      %dma_wait3A_1088 = arith.constant 0 : i32
      %dma_wait3A_1089 = arith.constant 0 : i32
      %dma_wait3A_1090 = tpu.memref_slice %arg4[%dma_wait3A_1087, %dma_wait3A_1088, %dma_wait3A_1089] : memref<6x32x512xf32, #tpu.memory_space<vmem>> -> memref<1x32x512xf32, #tpu.memory_space<vmem>>
      %dma_wait3A_1091 = tpu.memref_squeeze %dma_wait3A_1090 : memref<1x32x512xf32, #tpu.memory_space<vmem>> -> memref<32x512xf32, #tpu.memory_space<vmem>>
      %dma_wait3A_1092 = arith.constant 0 : i32
      %dma_wait3A_1093 = tpu.memref_slice %arg2[%dma_wait3A_1086, %dma_wait3A_1092, %mul3A_2] : memref<100x64x16384xf32, #tpu.memory_space<hbm>> -> memref<1x32x512xf32, #tpu.memory_space<hbm>>
      %dma_wait3A_1094 = tpu.memref_squeeze %dma_wait3A_1093 : memref<1x32x512xf32, #tpu.memory_space<hbm>> -> memref<32x512xf32, #tpu.memory_space<hbm>>
      %dma_wait3A_1095 = arith.constant 0 : i32
      %dma_wait3A_1096 = arith.constant 0 : i32
      %dma_wait3A_1097 = tpu.memref_slice %arg4[%dma_wait3A_1087, %dma_wait3A_1095, %dma_wait3A_1096] : memref<6x32x512xf32, #tpu.memory_space<vmem>> -> memref<1x32x512xf32, #tpu.memory_space<vmem>>
      %dma_wait3A_1098 = tpu.memref_squeeze %dma_wait3A_1097 : memref<1x32x512xf32, #tpu.memory_space<vmem>> -> memref<32x512xf32, #tpu.memory_space<vmem>>
      %dma_wait3A_1099 = arith.constant 0 : i32
      %dma_wait3A_1100 = tpu.memref_slice %arg2[%dma_wait3A_1086, %dma_wait3A_1099, %mul3A_2] : memref<100x64x16384xf32, #tpu.memory_space<hbm>> -> memref<1x32x512xf32, #tpu.memory_space<hbm>>
      %dma_wait3A_1101 = tpu.memref_squeeze %dma_wait3A_1100 : memref<1x32x512xf32, #tpu.memory_space<hbm>> -> memref<32x512xf32, #tpu.memory_space<hbm>>
      tpu.wait_dma2 semaphore(%arg10 : memref<!tpu.dma_semaphore, #tpu.memory_space<semaphore_mem>>) src(%dma_wait3A_1101 : memref<32x512xf32, #tpu.memory_space<hbm>>) dst(%dma_wait3A_1098 : memref<32x512xf32, #tpu.memory_space<vmem>>)
      %dma_wait3A_1102 = arith.constant 1 : i32
      %dma_wait3A_1103 = arith.constant 0 : i32
      %dma_wait3A_1104 = arith.constant 0 : i32
      %dma_wait3A_1105 = arith.constant 0 : i32
      %dma_wait3A_1106 = tpu.memref_slice %arg4[%dma_wait3A_1102, %dma_wait3A_1104, %dma_wait3A_1105] : memref<6x32x512xf32, #tpu.memory_space<vmem>> -> memref<1x32x512xf32, #tpu.memory_space<vmem>>
      %dma_wait3A_1107 = tpu.memref_squeeze %dma_wait3A_1106 : memref<1x32x512xf32, #tpu.memory_space<vmem>> -> memref<32x512xf32, #tpu.memory_space<vmem>>
      %dma_wait3A_1108 = arith.constant 0 : i32
      %dma_wait3A_1109 = tpu.memref_slice %arg3[%dma_wait3A_1103, %dma_wait3A_1108, %mul3A_2] : memref<50x64x16384xf32, #tpu.memory_space<hbm>> -> memref<1x32x512xf32, #tpu.memory_space<hbm>>
      %dma_wait3A_1110 = tpu.memref_squeeze %dma_wait3A_1109 : memref<1x32x512xf32, #tpu.memory_space<hbm>> -> memref<32x512xf32, #tpu.memory_space<hbm>>
      %dma_wait3A_1111 = arith.constant 0 : i32
      %dma_wait3A_1112 = tpu.memref_slice %arg3[%dma_wait3A_1103, %dma_wait3A_1111, %mul3A_2] : memref<50x64x16384xf32, #tpu.memory_space<hbm>> -> memref<1x32x512xf32, #tpu.memory_space<hbm>>
      %dma_wait3A_1113 = tpu.memref_squeeze %dma_wait3A_1112 : memref<1x32x512xf32, #tpu.memory_space<hbm>> -> memref<32x512xf32, #tpu.memory_space<hbm>>
      %dma_wait3A_1114 = arith.constant 0 : i32
      %dma_wait3A_1115 = arith.constant 0 : i32
      %dma_wait3A_1116 = tpu.memref_slice %arg4[%dma_wait3A_1102, %dma_wait3A_1114, %dma_wait3A_1115] : memref<6x32x512xf32, #tpu.memory_space<vmem>> -> memref<1x32x512xf32, #tpu.memory_space<vmem>>
      %dma_wait3A_1117 = tpu.memref_squeeze %dma_wait3A_1116 : memref<1x32x512xf32, #tpu.memory_space<vmem>> -> memref<32x512xf32, #tpu.memory_space<vmem>>
      tpu.wait_dma2 semaphore(%arg12 : memref<!tpu.dma_semaphore, #tpu.memory_space<semaphore_mem>>) src(%dma_wait3A_1117 : memref<32x512xf32, #tpu.memory_space<vmem>>) dst(%dma_wait3A_1113 : memref<32x512xf32, #tpu.memory_space<hbm>>)
      %jit3A_1118 = arith.constant 2 : i32
      %div3A_1119 = arith.divsi %add3A_1085, %jit3A_1118 : i32
      %sign3A_1120 = arith.constant 0 : i32
      %sign3A_1121 = arith.cmpi sgt, %add3A_1085, %sign3A_1120 : i32
      %sign3A_1122 = arith.extui %sign3A_1121 : i1 to i32
      %sign3A_1123 = arith.constant 0 : i32
      %sign3A_1124 = arith.cmpi slt, %add3A_1085, %sign3A_1123 : i32
      %sign3A_1125 = arith.extui %sign3A_1124 : i1 to i32
      %sign3A_1126 = arith.subi %sign3A_1122, %sign3A_1125 : i32
      %sign3A_1127 = arith.constant 0 : i32
      %sign3A_1128 = arith.cmpi sgt, %jit3A_1118, %sign3A_1127 : i32
      %sign3A_1129 = arith.extui %sign3A_1128 : i1 to i32
      %sign3A_1130 = arith.constant 0 : i32
      %sign3A_1131 = arith.cmpi slt, %jit3A_1118, %sign3A_1130 : i32
      %sign3A_1132 = arith.extui %sign3A_1131 : i1 to i32
      %sign3A_1133 = arith.subi %sign3A_1129, %sign3A_1132 : i32
      %ne3A_1134 = arith.cmpi ne, %sign3A_1126, %sign3A_1133 : i32
      %rem3A_1135 = arith.remsi %add3A_1085, %jit3A_1118 : i32
      %ne3A_1136 = arith.constant 0 : i32
      %ne3A_1137 = arith.cmpi ne, %rem3A_1135, %ne3A_1136 : i32
      %and3A_1138 = arith.andi %ne3A_1134, %ne3A_1137 : i1
      %sub3A_1139 = arith.constant 1 : i32
      %sub3A_1140 = arith.subi %div3A_1119, %sub3A_1139 : i32
      %select_n3A_1141 = arith.select %and3A_1138, %sub3A_1140, %div3A_1119 : i32
      %jit3A_1142 = arith.constant 2 : i32
      %eq3A_1143 = arith.constant 0 : i32
      %eq3A_1144 = arith.cmpi eq, %jit3A_1142, %eq3A_1143 : i32
      %jit3A_1145 = arith.constant 1 : i32
      %select_n3A_1146 = arith.select %eq3A_1144, %jit3A_1145, %jit3A_1142 : i32
      %rem3A_1147 = arith.remsi %add3A_1085, %select_n3A_1146 : i32
      %ne3A_1148 = arith.constant 0 : i32
      %ne3A_1149 = arith.cmpi ne, %rem3A_1147, %ne3A_1148 : i32
      %lt3A_1150 = arith.constant 0 : i32
      %lt3A_1151 = arith.cmpi slt, %rem3A_1147, %lt3A_1150 : i32
      %lt3A_1152 = arith.constant 0 : i32
      %lt3A_1153 = arith.cmpi slt, %select_n3A_1146, %lt3A_1152 : i32
      %ne3A_1154 = arith.xori %lt3A_1151, %lt3A_1153 : i1
      %and3A_1155 = arith.andi %ne3A_1154, %ne3A_1149 : i1
      %add3A_1156 = arith.addi %rem3A_1147, %select_n3A_1146 : i32
      %select_n3A_1157 = arith.select %and3A_1155, %add3A_1156, %rem3A_1147 : i32
      %mul3A_1158 = arith.constant 32 : i32
      %mul3A_1159 = arith.muli %select_n3A_1157, %mul3A_1158 : i32
      %dma_start3A_1160 = arith.constant 5 : i32
      %dma_start3A_1161 = arith.constant 0 : i32
      %dma_start3A_1162 = arith.constant 0 : i32
      %dma_start3A_1163 = tpu.memref_slice %arg4[%dma_start3A_1160, %dma_start3A_1161, %dma_start3A_1162] : memref<6x32x512xf32, #tpu.memory_space<vmem>> -> memref<1x32x512xf32, #tpu.memory_space<vmem>>
      %dma_start3A_1164 = tpu.memref_squeeze %dma_start3A_1163 : memref<1x32x512xf32, #tpu.memory_space<vmem>> -> memref<32x512xf32, #tpu.memory_space<vmem>>
      %dma_start3A_1165 = tpu.memref_slice %arg3[%select_n3A_1141, %mul3A_1159, %mul3A_2] : memref<50x64x16384xf32, #tpu.memory_space<hbm>> -> memref<1x32x512xf32, #tpu.memory_space<hbm>>
      %dma_start3A_1166 = tpu.memref_squeeze %dma_start3A_1165 : memref<1x32x512xf32, #tpu.memory_space<hbm>> -> memref<32x512xf32, #tpu.memory_space<hbm>>
      %dma_start3A_1167 = tpu.memref_slice %arg3[%select_n3A_1141, %mul3A_1159, %mul3A_2] : memref<50x64x16384xf32, #tpu.memory_space<hbm>> -> memref<1x32x512xf32, #tpu.memory_space<hbm>>
      %dma_start3A_1168 = tpu.memref_squeeze %dma_start3A_1167 : memref<1x32x512xf32, #tpu.memory_space<hbm>> -> memref<32x512xf32, #tpu.memory_space<hbm>>
      %dma_start3A_1169 = arith.constant 0 : i32
      %dma_start3A_1170 = arith.constant 0 : i32
      %dma_start3A_1171 = tpu.memref_slice %arg4[%dma_start3A_1160, %dma_start3A_1169, %dma_start3A_1170] : memref<6x32x512xf32, #tpu.memory_space<vmem>> -> memref<1x32x512xf32, #tpu.memory_space<vmem>>
      %dma_start3A_1172 = tpu.memref_squeeze %dma_start3A_1171 : memref<1x32x512xf32, #tpu.memory_space<vmem>> -> memref<32x512xf32, #tpu.memory_space<vmem>>
      tpu.enqueue_dma source(%dma_start3A_1172 : memref<32x512xf32, #tpu.memory_space<vmem>>) target(%dma_start3A_1168 : memref<32x512xf32, #tpu.memory_space<hbm>>) target_semaphore(%arg16 : memref<!tpu.dma_semaphore, #tpu.memory_space<semaphore_mem>>)
      %add3A_1173 = arith.constant 2 : i32
      %add3A_1174 = arith.addi %add3A_1085, %add3A_1173 : i32
      %jit3A_1175 = arith.constant 2 : i32
      %div3A_1176 = arith.divsi %add3A_1174, %jit3A_1175 : i32
      %sign3A_1177 = arith.constant 0 : i32
      %sign3A_1178 = arith.cmpi sgt, %add3A_1174, %sign3A_1177 : i32
      %sign3A_1179 = arith.extui %sign3A_1178 : i1 to i32
      %sign3A_1180 = arith.constant 0 : i32
      %sign3A_1181 = arith.cmpi slt, %add3A_1174, %sign3A_1180 : i32
      %sign3A_1182 = arith.extui %sign3A_1181 : i1 to i32
      %sign3A_1183 = arith.subi %sign3A_1179, %sign3A_1182 : i32
      %sign3A_1184 = arith.constant 0 : i32
      %sign3A_1185 = arith.cmpi sgt, %jit3A_1175, %sign3A_1184 : i32
      %sign3A_1186 = arith.extui %sign3A_1185 : i1 to i32
      %sign3A_1187 = arith.constant 0 : i32
      %sign3A_1188 = arith.cmpi slt, %jit3A_1175, %sign3A_1187 : i32
      %sign3A_1189 = arith.extui %sign3A_1188 : i1 to i32
      %sign3A_1190 = arith.subi %sign3A_1186, %sign3A_1189 : i32
      %ne3A_1191 = arith.cmpi ne, %sign3A_1183, %sign3A_1190 : i32
      %rem3A_1192 = arith.remsi %add3A_1174, %jit3A_1175 : i32
      %ne3A_1193 = arith.constant 0 : i32
      %ne3A_1194 = arith.cmpi ne, %rem3A_1192, %ne3A_1193 : i32
      %and3A_1195 = arith.andi %ne3A_1191, %ne3A_1194 : i1
      %sub3A_1196 = arith.constant 1 : i32
      %sub3A_1197 = arith.subi %div3A_1176, %sub3A_1196 : i32
      %select_n3A_1198 = arith.select %and3A_1195, %sub3A_1197, %div3A_1176 : i32
      %mul3A_1199 = arith.constant 2 : i32
      %mul3A_1200 = arith.muli %mul3A_1199, %select_n3A_1198 : i32
      %jit3A_1201 = arith.constant 2 : i32
      %eq3A_1202 = arith.constant 0 : i32
      %eq3A_1203 = arith.cmpi eq, %jit3A_1201, %eq3A_1202 : i32
      %jit3A_1204 = arith.constant 1 : i32
      %select_n3A_1205 = arith.select %eq3A_1203, %jit3A_1204, %jit3A_1201 : i32
      %rem3A_1206 = arith.remsi %add3A_1174, %select_n3A_1205 : i32
      %ne3A_1207 = arith.constant 0 : i32
      %ne3A_1208 = arith.cmpi ne, %rem3A_1206, %ne3A_1207 : i32
      %lt3A_1209 = arith.constant 0 : i32
      %lt3A_1210 = arith.cmpi slt, %rem3A_1206, %lt3A_1209 : i32
      %lt3A_1211 = arith.constant 0 : i32
      %lt3A_1212 = arith.cmpi slt, %select_n3A_1205, %lt3A_1211 : i32
      %ne3A_1213 = arith.xori %lt3A_1210, %lt3A_1212 : i1
      %and3A_1214 = arith.andi %ne3A_1213, %ne3A_1208 : i1
      %add3A_1215 = arith.addi %rem3A_1206, %select_n3A_1205 : i32
      %select_n3A_1216 = arith.select %and3A_1214, %add3A_1215, %rem3A_1206 : i32
      %mul3A_1217 = arith.constant 32 : i32
      %mul3A_1218 = arith.muli %select_n3A_1216, %mul3A_1217 : i32
      %dma_start3A_1219 = arith.constant 1 : i32
      %dma_start3A_1220 = arith.constant 0 : i32
      %dma_start3A_1221 = arith.constant 0 : i32
      %dma_start3A_1222 = tpu.memref_slice %arg4[%dma_start3A_1219, %dma_start3A_1220, %dma_start3A_1221] : memref<6x32x512xf32, #tpu.memory_space<vmem>> -> memref<1x32x512xf32, #tpu.memory_space<vmem>>
      %dma_start3A_1223 = tpu.memref_squeeze %dma_start3A_1222 : memref<1x32x512xf32, #tpu.memory_space<vmem>> -> memref<32x512xf32, #tpu.memory_space<vmem>>
      %dma_start3A_1224 = tpu.memref_slice %arg2[%mul3A_1200, %mul3A_1218, %mul3A_2] : memref<100x64x16384xf32, #tpu.memory_space<hbm>> -> memref<1x32x512xf32, #tpu.memory_space<hbm>>
      %dma_start3A_1225 = tpu.memref_squeeze %dma_start3A_1224 : memref<1x32x512xf32, #tpu.memory_space<hbm>> -> memref<32x512xf32, #tpu.memory_space<hbm>>
      %dma_start3A_1226 = arith.constant 0 : i32
      %dma_start3A_1227 = arith.constant 0 : i32
      %dma_start3A_1228 = tpu.memref_slice %arg4[%dma_start3A_1219, %dma_start3A_1226, %dma_start3A_1227] : memref<6x32x512xf32, #tpu.memory_space<vmem>> -> memref<1x32x512xf32, #tpu.memory_space<vmem>>
      %dma_start3A_1229 = tpu.memref_squeeze %dma_start3A_1228 : memref<1x32x512xf32, #tpu.memory_space<vmem>> -> memref<32x512xf32, #tpu.memory_space<vmem>>
      %dma_start3A_1230 = tpu.memref_slice %arg2[%mul3A_1200, %mul3A_1218, %mul3A_2] : memref<100x64x16384xf32, #tpu.memory_space<hbm>> -> memref<1x32x512xf32, #tpu.memory_space<hbm>>
      %dma_start3A_1231 = tpu.memref_squeeze %dma_start3A_1230 : memref<1x32x512xf32, #tpu.memory_space<hbm>> -> memref<32x512xf32, #tpu.memory_space<hbm>>
      tpu.enqueue_dma source(%dma_start3A_1231 : memref<32x512xf32, #tpu.memory_space<hbm>>) target(%dma_start3A_1229 : memref<32x512xf32, #tpu.memory_space<vmem>>) target_semaphore(%arg6 : memref<!tpu.dma_semaphore, #tpu.memory_space<semaphore_mem>>)
      %add3A_1232 = arith.constant 4 : i32
      %add3A_1233 = arith.addi %add3A_649, %add3A_1232 : i32
      %dma_wait3A_1234 = arith.constant 0 : i32
      %dma_wait3A_1235 = arith.constant 0 : i32
      %dma_wait3A_1236 = arith.constant 0 : i32
      %dma_wait3A_1237 = arith.constant 0 : i32
      %dma_wait3A_1238 = tpu.memref_slice %arg4[%dma_wait3A_1235, %dma_wait3A_1236, %dma_wait3A_1237] : memref<6x32x512xf32, #tpu.memory_space<vmem>> -> memref<1x32x512xf32, #tpu.memory_space<vmem>>
      %dma_wait3A_1239 = tpu.memref_squeeze %dma_wait3A_1238 : memref<1x32x512xf32, #tpu.memory_space<vmem>> -> memref<32x512xf32, #tpu.memory_space<vmem>>
      %dma_wait3A_1240 = arith.constant 0 : i32
      %dma_wait3A_1241 = tpu.memref_slice %arg2[%dma_wait3A_1234, %dma_wait3A_1240, %mul3A_2] : memref<100x64x16384xf32, #tpu.memory_space<hbm>> -> memref<1x32x512xf32, #tpu.memory_space<hbm>>
      %dma_wait3A_1242 = tpu.memref_squeeze %dma_wait3A_1241 : memref<1x32x512xf32, #tpu.memory_space<hbm>> -> memref<32x512xf32, #tpu.memory_space<hbm>>
      %dma_wait3A_1243 = arith.constant 0 : i32
      %dma_wait3A_1244 = arith.constant 0 : i32
      %dma_wait3A_1245 = tpu.memref_slice %arg4[%dma_wait3A_1235, %dma_wait3A_1243, %dma_wait3A_1244] : memref<6x32x512xf32, #tpu.memory_space<vmem>> -> memref<1x32x512xf32, #tpu.memory_space<vmem>>
      %dma_wait3A_1246 = tpu.memref_squeeze %dma_wait3A_1245 : memref<1x32x512xf32, #tpu.memory_space<vmem>> -> memref<32x512xf32, #tpu.memory_space<vmem>>
      %dma_wait3A_1247 = arith.constant 0 : i32
      %dma_wait3A_1248 = tpu.memref_slice %arg2[%dma_wait3A_1234, %dma_wait3A_1247, %mul3A_2] : memref<100x64x16384xf32, #tpu.memory_space<hbm>> -> memref<1x32x512xf32, #tpu.memory_space<hbm>>
      %dma_wait3A_1249 = tpu.memref_squeeze %dma_wait3A_1248 : memref<1x32x512xf32, #tpu.memory_space<hbm>> -> memref<32x512xf32, #tpu.memory_space<hbm>>
      tpu.wait_dma2 semaphore(%arg5 : memref<!tpu.dma_semaphore, #tpu.memory_space<semaphore_mem>>) src(%dma_wait3A_1249 : memref<32x512xf32, #tpu.memory_space<hbm>>) dst(%dma_wait3A_1246 : memref<32x512xf32, #tpu.memory_space<vmem>>)
      %dma_wait3A_1250 = arith.constant 2 : i32
      %dma_wait3A_1251 = arith.constant 0 : i32
      %dma_wait3A_1252 = arith.constant 0 : i32
      %dma_wait3A_1253 = arith.constant 0 : i32
      %dma_wait3A_1254 = tpu.memref_slice %arg4[%dma_wait3A_1250, %dma_wait3A_1252, %dma_wait3A_1253] : memref<6x32x512xf32, #tpu.memory_space<vmem>> -> memref<1x32x512xf32, #tpu.memory_space<vmem>>
      %dma_wait3A_1255 = tpu.memref_squeeze %dma_wait3A_1254 : memref<1x32x512xf32, #tpu.memory_space<vmem>> -> memref<32x512xf32, #tpu.memory_space<vmem>>
      %dma_wait3A_1256 = arith.constant 0 : i32
      %dma_wait3A_1257 = tpu.memref_slice %arg3[%dma_wait3A_1251, %dma_wait3A_1256, %mul3A_2] : memref<50x64x16384xf32, #tpu.memory_space<hbm>> -> memref<1x32x512xf32, #tpu.memory_space<hbm>>
      %dma_wait3A_1258 = tpu.memref_squeeze %dma_wait3A_1257 : memref<1x32x512xf32, #tpu.memory_space<hbm>> -> memref<32x512xf32, #tpu.memory_space<hbm>>
      %dma_wait3A_1259 = arith.constant 0 : i32
      %dma_wait3A_1260 = tpu.memref_slice %arg3[%dma_wait3A_1251, %dma_wait3A_1259, %mul3A_2] : memref<50x64x16384xf32, #tpu.memory_space<hbm>> -> memref<1x32x512xf32, #tpu.memory_space<hbm>>
      %dma_wait3A_1261 = tpu.memref_squeeze %dma_wait3A_1260 : memref<1x32x512xf32, #tpu.memory_space<hbm>> -> memref<32x512xf32, #tpu.memory_space<hbm>>
      %dma_wait3A_1262 = arith.constant 0 : i32
      %dma_wait3A_1263 = arith.constant 0 : i32
      %dma_wait3A_1264 = tpu.memref_slice %arg4[%dma_wait3A_1250, %dma_wait3A_1262, %dma_wait3A_1263] : memref<6x32x512xf32, #tpu.memory_space<vmem>> -> memref<1x32x512xf32, #tpu.memory_space<vmem>>
      %dma_wait3A_1265 = tpu.memref_squeeze %dma_wait3A_1264 : memref<1x32x512xf32, #tpu.memory_space<vmem>> -> memref<32x512xf32, #tpu.memory_space<vmem>>
      tpu.wait_dma2 semaphore(%arg13 : memref<!tpu.dma_semaphore, #tpu.memory_space<semaphore_mem>>) src(%dma_wait3A_1265 : memref<32x512xf32, #tpu.memory_space<vmem>>) dst(%dma_wait3A_1261 : memref<32x512xf32, #tpu.memory_space<hbm>>)
      %jit3A_1266 = arith.constant 2 : i32
      %div3A_1267 = arith.divsi %add3A_1233, %jit3A_1266 : i32
      %sign3A_1268 = arith.constant 0 : i32
      %sign3A_1269 = arith.cmpi sgt, %add3A_1233, %sign3A_1268 : i32
      %sign3A_1270 = arith.extui %sign3A_1269 : i1 to i32
      %sign3A_1271 = arith.constant 0 : i32
      %sign3A_1272 = arith.cmpi slt, %add3A_1233, %sign3A_1271 : i32
      %sign3A_1273 = arith.extui %sign3A_1272 : i1 to i32
      %sign3A_1274 = arith.subi %sign3A_1270, %sign3A_1273 : i32
      %sign3A_1275 = arith.constant 0 : i32
      %sign3A_1276 = arith.cmpi sgt, %jit3A_1266, %sign3A_1275 : i32
      %sign3A_1277 = arith.extui %sign3A_1276 : i1 to i32
      %sign3A_1278 = arith.constant 0 : i32
      %sign3A_1279 = arith.cmpi slt, %jit3A_1266, %sign3A_1278 : i32
      %sign3A_1280 = arith.extui %sign3A_1279 : i1 to i32
      %sign3A_1281 = arith.subi %sign3A_1277, %sign3A_1280 : i32
      %ne3A_1282 = arith.cmpi ne, %sign3A_1274, %sign3A_1281 : i32
      %rem3A_1283 = arith.remsi %add3A_1233, %jit3A_1266 : i32
      %ne3A_1284 = arith.constant 0 : i32
      %ne3A_1285 = arith.cmpi ne, %rem3A_1283, %ne3A_1284 : i32
      %and3A_1286 = arith.andi %ne3A_1282, %ne3A_1285 : i1
      %sub3A_1287 = arith.constant 1 : i32
      %sub3A_1288 = arith.subi %div3A_1267, %sub3A_1287 : i32
      %select_n3A_1289 = arith.select %and3A_1286, %sub3A_1288, %div3A_1267 : i32
      %jit3A_1290 = arith.constant 2 : i32
      %eq3A_1291 = arith.constant 0 : i32
      %eq3A_1292 = arith.cmpi eq, %jit3A_1290, %eq3A_1291 : i32
      %jit3A_1293 = arith.constant 1 : i32
      %select_n3A_1294 = arith.select %eq3A_1292, %jit3A_1293, %jit3A_1290 : i32
      %rem3A_1295 = arith.remsi %add3A_1233, %select_n3A_1294 : i32
      %ne3A_1296 = arith.constant 0 : i32
      %ne3A_1297 = arith.cmpi ne, %rem3A_1295, %ne3A_1296 : i32
      %lt3A_1298 = arith.constant 0 : i32
      %lt3A_1299 = arith.cmpi slt, %rem3A_1295, %lt3A_1298 : i32
      %lt3A_1300 = arith.constant 0 : i32
      %lt3A_1301 = arith.cmpi slt, %select_n3A_1294, %lt3A_1300 : i32
      %ne3A_1302 = arith.xori %lt3A_1299, %lt3A_1301 : i1
      %and3A_1303 = arith.andi %ne3A_1302, %ne3A_1297 : i1
      %add3A_1304 = arith.addi %rem3A_1295, %select_n3A_1294 : i32
      %select_n3A_1305 = arith.select %and3A_1303, %add3A_1304, %rem3A_1295 : i32
      %mul3A_1306 = arith.constant 32 : i32
      %mul3A_1307 = arith.muli %select_n3A_1305, %mul3A_1306 : i32
      %dma_start3A_1308 = arith.constant 0 : i32
      %dma_start3A_1309 = arith.constant 0 : i32
      %dma_start3A_1310 = arith.constant 0 : i32
      %dma_start3A_1311 = tpu.memref_slice %arg4[%dma_start3A_1308, %dma_start3A_1309, %dma_start3A_1310] : memref<6x32x512xf32, #tpu.memory_space<vmem>> -> memref<1x32x512xf32, #tpu.memory_space<vmem>>
      %dma_start3A_1312 = tpu.memref_squeeze %dma_start3A_1311 : memref<1x32x512xf32, #tpu.memory_space<vmem>> -> memref<32x512xf32, #tpu.memory_space<vmem>>
      %dma_start3A_1313 = tpu.memref_slice %arg3[%select_n3A_1289, %mul3A_1307, %mul3A_2] : memref<50x64x16384xf32, #tpu.memory_space<hbm>> -> memref<1x32x512xf32, #tpu.memory_space<hbm>>
      %dma_start3A_1314 = tpu.memref_squeeze %dma_start3A_1313 : memref<1x32x512xf32, #tpu.memory_space<hbm>> -> memref<32x512xf32, #tpu.memory_space<hbm>>
      %dma_start3A_1315 = tpu.memref_slice %arg3[%select_n3A_1289, %mul3A_1307, %mul3A_2] : memref<50x64x16384xf32, #tpu.memory_space<hbm>> -> memref<1x32x512xf32, #tpu.memory_space<hbm>>
      %dma_start3A_1316 = tpu.memref_squeeze %dma_start3A_1315 : memref<1x32x512xf32, #tpu.memory_space<hbm>> -> memref<32x512xf32, #tpu.memory_space<hbm>>
      %dma_start3A_1317 = arith.constant 0 : i32
      %dma_start3A_1318 = arith.constant 0 : i32
      %dma_start3A_1319 = tpu.memref_slice %arg4[%dma_start3A_1308, %dma_start3A_1317, %dma_start3A_1318] : memref<6x32x512xf32, #tpu.memory_space<vmem>> -> memref<1x32x512xf32, #tpu.memory_space<vmem>>
      %dma_start3A_1320 = tpu.memref_squeeze %dma_start3A_1319 : memref<1x32x512xf32, #tpu.memory_space<vmem>> -> memref<32x512xf32, #tpu.memory_space<vmem>>
      tpu.enqueue_dma source(%dma_start3A_1320 : memref<32x512xf32, #tpu.memory_space<vmem>>) target(%dma_start3A_1316 : memref<32x512xf32, #tpu.memory_space<hbm>>) target_semaphore(%arg11 : memref<!tpu.dma_semaphore, #tpu.memory_space<semaphore_mem>>)
      %add3A_1321 = arith.constant 2 : i32
      %add3A_1322 = arith.addi %add3A_1233, %add3A_1321 : i32
      %jit3A_1323 = arith.constant 2 : i32
      %div3A_1324 = arith.divsi %add3A_1322, %jit3A_1323 : i32
      %sign3A_1325 = arith.constant 0 : i32
      %sign3A_1326 = arith.cmpi sgt, %add3A_1322, %sign3A_1325 : i32
      %sign3A_1327 = arith.extui %sign3A_1326 : i1 to i32
      %sign3A_1328 = arith.constant 0 : i32
      %sign3A_1329 = arith.cmpi slt, %add3A_1322, %sign3A_1328 : i32
      %sign3A_1330 = arith.extui %sign3A_1329 : i1 to i32
      %sign3A_1331 = arith.subi %sign3A_1327, %sign3A_1330 : i32
      %sign3A_1332 = arith.constant 0 : i32
      %sign3A_1333 = arith.cmpi sgt, %jit3A_1323, %sign3A_1332 : i32
      %sign3A_1334 = arith.extui %sign3A_1333 : i1 to i32
      %sign3A_1335 = arith.constant 0 : i32
      %sign3A_1336 = arith.cmpi slt, %jit3A_1323, %sign3A_1335 : i32
      %sign3A_1337 = arith.extui %sign3A_1336 : i1 to i32
      %sign3A_1338 = arith.subi %sign3A_1334, %sign3A_1337 : i32
      %ne3A_1339 = arith.cmpi ne, %sign3A_1331, %sign3A_1338 : i32
      %rem3A_1340 = arith.remsi %add3A_1322, %jit3A_1323 : i32
      %ne3A_1341 = arith.constant 0 : i32
      %ne3A_1342 = arith.cmpi ne, %rem3A_1340, %ne3A_1341 : i32
      %and3A_1343 = arith.andi %ne3A_1339, %ne3A_1342 : i1
      %sub3A_1344 = arith.constant 1 : i32
      %sub3A_1345 = arith.subi %div3A_1324, %sub3A_1344 : i32
      %select_n3A_1346 = arith.select %and3A_1343, %sub3A_1345, %div3A_1324 : i32
      %mul3A_1347 = arith.constant 2 : i32
      %mul3A_1348 = arith.muli %mul3A_1347, %select_n3A_1346 : i32
      %jit3A_1349 = arith.constant 2 : i32
      %eq3A_1350 = arith.constant 0 : i32
      %eq3A_1351 = arith.cmpi eq, %jit3A_1349, %eq3A_1350 : i32
      %jit3A_1352 = arith.constant 1 : i32
      %select_n3A_1353 = arith.select %eq3A_1351, %jit3A_1352, %jit3A_1349 : i32
      %rem3A_1354 = arith.remsi %add3A_1322, %select_n3A_1353 : i32
      %ne3A_1355 = arith.constant 0 : i32
      %ne3A_1356 = arith.cmpi ne, %rem3A_1354, %ne3A_1355 : i32
      %lt3A_1357 = arith.constant 0 : i32
      %lt3A_1358 = arith.cmpi slt, %rem3A_1354, %lt3A_1357 : i32
      %lt3A_1359 = arith.constant 0 : i32
      %lt3A_1360 = arith.cmpi slt, %select_n3A_1353, %lt3A_1359 : i32
      %ne3A_1361 = arith.xori %lt3A_1358, %lt3A_1360 : i1
      %and3A_1362 = arith.andi %ne3A_1361, %ne3A_1356 : i1
      %add3A_1363 = arith.addi %rem3A_1354, %select_n3A_1353 : i32
      %select_n3A_1364 = arith.select %and3A_1362, %add3A_1363, %rem3A_1354 : i32
      %mul3A_1365 = arith.constant 32 : i32
      %mul3A_1366 = arith.muli %select_n3A_1364, %mul3A_1365 : i32
      %dma_start3A_1367 = arith.constant 2 : i32
      %dma_start3A_1368 = arith.constant 0 : i32
      %dma_start3A_1369 = arith.constant 0 : i32
      %dma_start3A_1370 = tpu.memref_slice %arg4[%dma_start3A_1367, %dma_start3A_1368, %dma_start3A_1369] : memref<6x32x512xf32, #tpu.memory_space<vmem>> -> memref<1x32x512xf32, #tpu.memory_space<vmem>>
      %dma_start3A_1371 = tpu.memref_squeeze %dma_start3A_1370 : memref<1x32x512xf32, #tpu.memory_space<vmem>> -> memref<32x512xf32, #tpu.memory_space<vmem>>
      %dma_start3A_1372 = tpu.memref_slice %arg2[%mul3A_1348, %mul3A_1366, %mul3A_2] : memref<100x64x16384xf32, #tpu.memory_space<hbm>> -> memref<1x32x512xf32, #tpu.memory_space<hbm>>
      %dma_start3A_1373 = tpu.memref_squeeze %dma_start3A_1372 : memref<1x32x512xf32, #tpu.memory_space<hbm>> -> memref<32x512xf32, #tpu.memory_space<hbm>>
      %dma_start3A_1374 = arith.constant 0 : i32
      %dma_start3A_1375 = arith.constant 0 : i32
      %dma_start3A_1376 = tpu.memref_slice %arg4[%dma_start3A_1367, %dma_start3A_1374, %dma_start3A_1375] : memref<6x32x512xf32, #tpu.memory_space<vmem>> -> memref<1x32x512xf32, #tpu.memory_space<vmem>>
      %dma_start3A_1377 = tpu.memref_squeeze %dma_start3A_1376 : memref<1x32x512xf32, #tpu.memory_space<vmem>> -> memref<32x512xf32, #tpu.memory_space<vmem>>
      %dma_start3A_1378 = tpu.memref_slice %arg2[%mul3A_1348, %mul3A_1366, %mul3A_2] : memref<100x64x16384xf32, #tpu.memory_space<hbm>> -> memref<1x32x512xf32, #tpu.memory_space<hbm>>
      %dma_start3A_1379 = tpu.memref_squeeze %dma_start3A_1378 : memref<1x32x512xf32, #tpu.memory_space<hbm>> -> memref<32x512xf32, #tpu.memory_space<hbm>>
      tpu.enqueue_dma source(%dma_start3A_1379 : memref<32x512xf32, #tpu.memory_space<hbm>>) target(%dma_start3A_1377 : memref<32x512xf32, #tpu.memory_space<vmem>>) target_semaphore(%arg7 : memref<!tpu.dma_semaphore, #tpu.memory_space<semaphore_mem>>)
      %add3A_1380 = arith.constant 5 : i32
      %add3A_1381 = arith.addi %add3A_649, %add3A_1380 : i32
      %dma_wait3A_1382 = arith.constant 0 : i32
      %dma_wait3A_1383 = arith.constant 1 : i32
      %dma_wait3A_1384 = arith.constant 0 : i32
      %dma_wait3A_1385 = arith.constant 0 : i32
      %dma_wait3A_1386 = tpu.memref_slice %arg4[%dma_wait3A_1383, %dma_wait3A_1384, %dma_wait3A_1385] : memref<6x32x512xf32, #tpu.memory_space<vmem>> -> memref<1x32x512xf32, #tpu.memory_space<vmem>>
      %dma_wait3A_1387 = tpu.memref_squeeze %dma_wait3A_1386 : memref<1x32x512xf32, #tpu.memory_space<vmem>> -> memref<32x512xf32, #tpu.memory_space<vmem>>
      %dma_wait3A_1388 = arith.constant 0 : i32
      %dma_wait3A_1389 = tpu.memref_slice %arg2[%dma_wait3A_1382, %dma_wait3A_1388, %mul3A_2] : memref<100x64x16384xf32, #tpu.memory_space<hbm>> -> memref<1x32x512xf32, #tpu.memory_space<hbm>>
      %dma_wait3A_1390 = tpu.memref_squeeze %dma_wait3A_1389 : memref<1x32x512xf32, #tpu.memory_space<hbm>> -> memref<32x512xf32, #tpu.memory_space<hbm>>
      %dma_wait3A_1391 = arith.constant 0 : i32
      %dma_wait3A_1392 = arith.constant 0 : i32
      %dma_wait3A_1393 = tpu.memref_slice %arg4[%dma_wait3A_1383, %dma_wait3A_1391, %dma_wait3A_1392] : memref<6x32x512xf32, #tpu.memory_space<vmem>> -> memref<1x32x512xf32, #tpu.memory_space<vmem>>
      %dma_wait3A_1394 = tpu.memref_squeeze %dma_wait3A_1393 : memref<1x32x512xf32, #tpu.memory_space<vmem>> -> memref<32x512xf32, #tpu.memory_space<vmem>>
      %dma_wait3A_1395 = arith.constant 0 : i32
      %dma_wait3A_1396 = tpu.memref_slice %arg2[%dma_wait3A_1382, %dma_wait3A_1395, %mul3A_2] : memref<100x64x16384xf32, #tpu.memory_space<hbm>> -> memref<1x32x512xf32, #tpu.memory_space<hbm>>
      %dma_wait3A_1397 = tpu.memref_squeeze %dma_wait3A_1396 : memref<1x32x512xf32, #tpu.memory_space<hbm>> -> memref<32x512xf32, #tpu.memory_space<hbm>>
      tpu.wait_dma2 semaphore(%arg6 : memref<!tpu.dma_semaphore, #tpu.memory_space<semaphore_mem>>) src(%dma_wait3A_1397 : memref<32x512xf32, #tpu.memory_space<hbm>>) dst(%dma_wait3A_1394 : memref<32x512xf32, #tpu.memory_space<vmem>>)
      %dma_wait3A_1398 = arith.constant 3 : i32
      %dma_wait3A_1399 = arith.constant 0 : i32
      %dma_wait3A_1400 = arith.constant 0 : i32
      %dma_wait3A_1401 = arith.constant 0 : i32
      %dma_wait3A_1402 = tpu.memref_slice %arg4[%dma_wait3A_1398, %dma_wait3A_1400, %dma_wait3A_1401] : memref<6x32x512xf32, #tpu.memory_space<vmem>> -> memref<1x32x512xf32, #tpu.memory_space<vmem>>
      %dma_wait3A_1403 = tpu.memref_squeeze %dma_wait3A_1402 : memref<1x32x512xf32, #tpu.memory_space<vmem>> -> memref<32x512xf32, #tpu.memory_space<vmem>>
      %dma_wait3A_1404 = arith.constant 0 : i32
      %dma_wait3A_1405 = tpu.memref_slice %arg3[%dma_wait3A_1399, %dma_wait3A_1404, %mul3A_2] : memref<50x64x16384xf32, #tpu.memory_space<hbm>> -> memref<1x32x512xf32, #tpu.memory_space<hbm>>
      %dma_wait3A_1406 = tpu.memref_squeeze %dma_wait3A_1405 : memref<1x32x512xf32, #tpu.memory_space<hbm>> -> memref<32x512xf32, #tpu.memory_space<hbm>>
      %dma_wait3A_1407 = arith.constant 0 : i32
      %dma_wait3A_1408 = tpu.memref_slice %arg3[%dma_wait3A_1399, %dma_wait3A_1407, %mul3A_2] : memref<50x64x16384xf32, #tpu.memory_space<hbm>> -> memref<1x32x512xf32, #tpu.memory_space<hbm>>
      %dma_wait3A_1409 = tpu.memref_squeeze %dma_wait3A_1408 : memref<1x32x512xf32, #tpu.memory_space<hbm>> -> memref<32x512xf32, #tpu.memory_space<hbm>>
      %dma_wait3A_1410 = arith.constant 0 : i32
      %dma_wait3A_1411 = arith.constant 0 : i32
      %dma_wait3A_1412 = tpu.memref_slice %arg4[%dma_wait3A_1398, %dma_wait3A_1410, %dma_wait3A_1411] : memref<6x32x512xf32, #tpu.memory_space<vmem>> -> memref<1x32x512xf32, #tpu.memory_space<vmem>>
      %dma_wait3A_1413 = tpu.memref_squeeze %dma_wait3A_1412 : memref<1x32x512xf32, #tpu.memory_space<vmem>> -> memref<32x512xf32, #tpu.memory_space<vmem>>
      tpu.wait_dma2 semaphore(%arg14 : memref<!tpu.dma_semaphore, #tpu.memory_space<semaphore_mem>>) src(%dma_wait3A_1413 : memref<32x512xf32, #tpu.memory_space<vmem>>) dst(%dma_wait3A_1409 : memref<32x512xf32, #tpu.memory_space<hbm>>)
      %jit3A_1414 = arith.constant 2 : i32
      %div3A_1415 = arith.divsi %add3A_1381, %jit3A_1414 : i32
      %sign3A_1416 = arith.constant 0 : i32
      %sign3A_1417 = arith.cmpi sgt, %add3A_1381, %sign3A_1416 : i32
      %sign3A_1418 = arith.extui %sign3A_1417 : i1 to i32
      %sign3A_1419 = arith.constant 0 : i32
      %sign3A_1420 = arith.cmpi slt, %add3A_1381, %sign3A_1419 : i32
      %sign3A_1421 = arith.extui %sign3A_1420 : i1 to i32
      %sign3A_1422 = arith.subi %sign3A_1418, %sign3A_1421 : i32
      %sign3A_1423 = arith.constant 0 : i32
      %sign3A_1424 = arith.cmpi sgt, %jit3A_1414, %sign3A_1423 : i32
      %sign3A_1425 = arith.extui %sign3A_1424 : i1 to i32
      %sign3A_1426 = arith.constant 0 : i32
      %sign3A_1427 = arith.cmpi slt, %jit3A_1414, %sign3A_1426 : i32
      %sign3A_1428 = arith.extui %sign3A_1427 : i1 to i32
      %sign3A_1429 = arith.subi %sign3A_1425, %sign3A_1428 : i32
      %ne3A_1430 = arith.cmpi ne, %sign3A_1422, %sign3A_1429 : i32
      %rem3A_1431 = arith.remsi %add3A_1381, %jit3A_1414 : i32
      %ne3A_1432 = arith.constant 0 : i32
      %ne3A_1433 = arith.cmpi ne, %rem3A_1431, %ne3A_1432 : i32
      %and3A_1434 = arith.andi %ne3A_1430, %ne3A_1433 : i1
      %sub3A_1435 = arith.constant 1 : i32
      %sub3A_1436 = arith.subi %div3A_1415, %sub3A_1435 : i32
      %select_n3A_1437 = arith.select %and3A_1434, %sub3A_1436, %div3A_1415 : i32
      %jit3A_1438 = arith.constant 2 : i32
      %eq3A_1439 = arith.constant 0 : i32
      %eq3A_1440 = arith.cmpi eq, %jit3A_1438, %eq3A_1439 : i32
      %jit3A_1441 = arith.constant 1 : i32
      %select_n3A_1442 = arith.select %eq3A_1440, %jit3A_1441, %jit3A_1438 : i32
      %rem3A_1443 = arith.remsi %add3A_1381, %select_n3A_1442 : i32
      %ne3A_1444 = arith.constant 0 : i32
      %ne3A_1445 = arith.cmpi ne, %rem3A_1443, %ne3A_1444 : i32
      %lt3A_1446 = arith.constant 0 : i32
      %lt3A_1447 = arith.cmpi slt, %rem3A_1443, %lt3A_1446 : i32
      %lt3A_1448 = arith.constant 0 : i32
      %lt3A_1449 = arith.cmpi slt, %select_n3A_1442, %lt3A_1448 : i32
      %ne3A_1450 = arith.xori %lt3A_1447, %lt3A_1449 : i1
      %and3A_1451 = arith.andi %ne3A_1450, %ne3A_1445 : i1
      %add3A_1452 = arith.addi %rem3A_1443, %select_n3A_1442 : i32
      %select_n3A_1453 = arith.select %and3A_1451, %add3A_1452, %rem3A_1443 : i32
      %mul3A_1454 = arith.constant 32 : i32
      %mul3A_1455 = arith.muli %select_n3A_1453, %mul3A_1454 : i32
      %dma_start3A_1456 = arith.constant 1 : i32
      %dma_start3A_1457 = arith.constant 0 : i32
      %dma_start3A_1458 = arith.constant 0 : i32
      %dma_start3A_1459 = tpu.memref_slice %arg4[%dma_start3A_1456, %dma_start3A_1457, %dma_start3A_1458] : memref<6x32x512xf32, #tpu.memory_space<vmem>> -> memref<1x32x512xf32, #tpu.memory_space<vmem>>
      %dma_start3A_1460 = tpu.memref_squeeze %dma_start3A_1459 : memref<1x32x512xf32, #tpu.memory_space<vmem>> -> memref<32x512xf32, #tpu.memory_space<vmem>>
      %dma_start3A_1461 = tpu.memref_slice %arg3[%select_n3A_1437, %mul3A_1455, %mul3A_2] : memref<50x64x16384xf32, #tpu.memory_space<hbm>> -> memref<1x32x512xf32, #tpu.memory_space<hbm>>
      %dma_start3A_1462 = tpu.memref_squeeze %dma_start3A_1461 : memref<1x32x512xf32, #tpu.memory_space<hbm>> -> memref<32x512xf32, #tpu.memory_space<hbm>>
      %dma_start3A_1463 = tpu.memref_slice %arg3[%select_n3A_1437, %mul3A_1455, %mul3A_2] : memref<50x64x16384xf32, #tpu.memory_space<hbm>> -> memref<1x32x512xf32, #tpu.memory_space<hbm>>
      %dma_start3A_1464 = tpu.memref_squeeze %dma_start3A_1463 : memref<1x32x512xf32, #tpu.memory_space<hbm>> -> memref<32x512xf32, #tpu.memory_space<hbm>>
      %dma_start3A_1465 = arith.constant 0 : i32
      %dma_start3A_1466 = arith.constant 0 : i32
      %dma_start3A_1467 = tpu.memref_slice %arg4[%dma_start3A_1456, %dma_start3A_1465, %dma_start3A_1466] : memref<6x32x512xf32, #tpu.memory_space<vmem>> -> memref<1x32x512xf32, #tpu.memory_space<vmem>>
      %dma_start3A_1468 = tpu.memref_squeeze %dma_start3A_1467 : memref<1x32x512xf32, #tpu.memory_space<vmem>> -> memref<32x512xf32, #tpu.memory_space<vmem>>
      tpu.enqueue_dma source(%dma_start3A_1468 : memref<32x512xf32, #tpu.memory_space<vmem>>) target(%dma_start3A_1464 : memref<32x512xf32, #tpu.memory_space<hbm>>) target_semaphore(%arg12 : memref<!tpu.dma_semaphore, #tpu.memory_space<semaphore_mem>>)
      %add3A_1469 = arith.constant 2 : i32
      %add3A_1470 = arith.addi %add3A_1381, %add3A_1469 : i32
      %jit3A_1471 = arith.constant 2 : i32
      %div3A_1472 = arith.divsi %add3A_1470, %jit3A_1471 : i32
      %sign3A_1473 = arith.constant 0 : i32
      %sign3A_1474 = arith.cmpi sgt, %add3A_1470, %sign3A_1473 : i32
      %sign3A_1475 = arith.extui %sign3A_1474 : i1 to i32
      %sign3A_1476 = arith.constant 0 : i32
      %sign3A_1477 = arith.cmpi slt, %add3A_1470, %sign3A_1476 : i32
      %sign3A_1478 = arith.extui %sign3A_1477 : i1 to i32
      %sign3A_1479 = arith.subi %sign3A_1475, %sign3A_1478 : i32
      %sign3A_1480 = arith.constant 0 : i32
      %sign3A_1481 = arith.cmpi sgt, %jit3A_1471, %sign3A_1480 : i32
      %sign3A_1482 = arith.extui %sign3A_1481 : i1 to i32
      %sign3A_1483 = arith.constant 0 : i32
      %sign3A_1484 = arith.cmpi slt, %jit3A_1471, %sign3A_1483 : i32
      %sign3A_1485 = arith.extui %sign3A_1484 : i1 to i32
      %sign3A_1486 = arith.subi %sign3A_1482, %sign3A_1485 : i32
      %ne3A_1487 = arith.cmpi ne, %sign3A_1479, %sign3A_1486 : i32
      %rem3A_1488 = arith.remsi %add3A_1470, %jit3A_1471 : i32
      %ne3A_1489 = arith.constant 0 : i32
      %ne3A_1490 = arith.cmpi ne, %rem3A_1488, %ne3A_1489 : i32
      %and3A_1491 = arith.andi %ne3A_1487, %ne3A_1490 : i1
      %sub3A_1492 = arith.constant 1 : i32
      %sub3A_1493 = arith.subi %div3A_1472, %sub3A_1492 : i32
      %select_n3A_1494 = arith.select %and3A_1491, %sub3A_1493, %div3A_1472 : i32
      %mul3A_1495 = arith.constant 2 : i32
      %mul3A_1496 = arith.muli %mul3A_1495, %select_n3A_1494 : i32
      %jit3A_1497 = arith.constant 2 : i32
      %eq3A_1498 = arith.constant 0 : i32
      %eq3A_1499 = arith.cmpi eq, %jit3A_1497, %eq3A_1498 : i32
      %jit3A_1500 = arith.constant 1 : i32
      %select_n3A_1501 = arith.select %eq3A_1499, %jit3A_1500, %jit3A_1497 : i32
      %rem3A_1502 = arith.remsi %add3A_1470, %select_n3A_1501 : i32
      %ne3A_1503 = arith.constant 0 : i32
      %ne3A_1504 = arith.cmpi ne, %rem3A_1502, %ne3A_1503 : i32
      %lt3A_1505 = arith.constant 0 : i32
      %lt3A_1506 = arith.cmpi slt, %rem3A_1502, %lt3A_1505 : i32
      %lt3A_1507 = arith.constant 0 : i32
      %lt3A_1508 = arith.cmpi slt, %select_n3A_1501, %lt3A_1507 : i32
      %ne3A_1509 = arith.xori %lt3A_1506, %lt3A_1508 : i1
      %and3A_1510 = arith.andi %ne3A_1509, %ne3A_1504 : i1
      %add3A_1511 = arith.addi %rem3A_1502, %select_n3A_1501 : i32
      %select_n3A_1512 = arith.select %and3A_1510, %add3A_1511, %rem3A_1502 : i32
      %mul3A_1513 = arith.constant 32 : i32
      %mul3A_1514 = arith.muli %select_n3A_1512, %mul3A_1513 : i32
      %dma_start3A_1515 = arith.constant 3 : i32
      %dma_start3A_1516 = arith.constant 0 : i32
      %dma_start3A_1517 = arith.constant 0 : i32
      %dma_start3A_1518 = tpu.memref_slice %arg4[%dma_start3A_1515, %dma_start3A_1516, %dma_start3A_1517] : memref<6x32x512xf32, #tpu.memory_space<vmem>> -> memref<1x32x512xf32, #tpu.memory_space<vmem>>
      %dma_start3A_1519 = tpu.memref_squeeze %dma_start3A_1518 : memref<1x32x512xf32, #tpu.memory_space<vmem>> -> memref<32x512xf32, #tpu.memory_space<vmem>>
      %dma_start3A_1520 = tpu.memref_slice %arg2[%mul3A_1496, %mul3A_1514, %mul3A_2] : memref<100x64x16384xf32, #tpu.memory_space<hbm>> -> memref<1x32x512xf32, #tpu.memory_space<hbm>>
      %dma_start3A_1521 = tpu.memref_squeeze %dma_start3A_1520 : memref<1x32x512xf32, #tpu.memory_space<hbm>> -> memref<32x512xf32, #tpu.memory_space<hbm>>
      %dma_start3A_1522 = arith.constant 0 : i32
      %dma_start3A_1523 = arith.constant 0 : i32
      %dma_start3A_1524 = tpu.memref_slice %arg4[%dma_start3A_1515, %dma_start3A_1522, %dma_start3A_1523] : memref<6x32x512xf32, #tpu.memory_space<vmem>> -> memref<1x32x512xf32, #tpu.memory_space<vmem>>
      %dma_start3A_1525 = tpu.memref_squeeze %dma_start3A_1524 : memref<1x32x512xf32, #tpu.memory_space<vmem>> -> memref<32x512xf32, #tpu.memory_space<vmem>>
      %dma_start3A_1526 = tpu.memref_slice %arg2[%mul3A_1496, %mul3A_1514, %mul3A_2] : memref<100x64x16384xf32, #tpu.memory_space<hbm>> -> memref<1x32x512xf32, #tpu.memory_space<hbm>>
      %dma_start3A_1527 = tpu.memref_squeeze %dma_start3A_1526 : memref<1x32x512xf32, #tpu.memory_space<hbm>> -> memref<32x512xf32, #tpu.memory_space<hbm>>
      tpu.enqueue_dma source(%dma_start3A_1527 : memref<32x512xf32, #tpu.memory_space<hbm>>) target(%dma_start3A_1525 : memref<32x512xf32, #tpu.memory_space<vmem>>) target_semaphore(%arg8 : memref<!tpu.dma_semaphore, #tpu.memory_space<semaphore_mem>>)
    }
    %scan3A_484 = arith.constant 15 : i32
    %dma_wait3A_485 = arith.constant 0 : i32
    %dma_wait3A_486 = arith.constant 2 : i32
    %dma_wait3A_487 = arith.constant 0 : i32
    %dma_wait3A_488 = arith.constant 0 : i32
    %dma_wait3A_489 = tpu.memref_slice %arg4[%dma_wait3A_486, %dma_wait3A_487, %dma_wait3A_488] : memref<6x32x512xf32, #tpu.memory_space<vmem>> -> memref<1x32x512xf32, #tpu.memory_space<vmem>>
    %dma_wait3A_490 = tpu.memref_squeeze %dma_wait3A_489 : memref<1x32x512xf32, #tpu.memory_space<vmem>> -> memref<32x512xf32, #tpu.memory_space<vmem>>
    %dma_wait3A_491 = arith.constant 0 : i32
    %dma_wait3A_492 = tpu.memref_slice %arg2[%dma_wait3A_485, %dma_wait3A_491, %mul3A_2] : memref<100x64x16384xf32, #tpu.memory_space<hbm>> -> memref<1x32x512xf32, #tpu.memory_space<hbm>>
    %dma_wait3A_493 = tpu.memref_squeeze %dma_wait3A_492 : memref<1x32x512xf32, #tpu.memory_space<hbm>> -> memref<32x512xf32, #tpu.memory_space<hbm>>
    %dma_wait3A_494 = arith.constant 0 : i32
    %dma_wait3A_495 = arith.constant 0 : i32
    %dma_wait3A_496 = tpu.memref_slice %arg4[%dma_wait3A_486, %dma_wait3A_494, %dma_wait3A_495] : memref<6x32x512xf32, #tpu.memory_space<vmem>> -> memref<1x32x512xf32, #tpu.memory_space<vmem>>
    %dma_wait3A_497 = tpu.memref_squeeze %dma_wait3A_496 : memref<1x32x512xf32, #tpu.memory_space<vmem>> -> memref<32x512xf32, #tpu.memory_space<vmem>>
    %dma_wait3A_498 = arith.constant 0 : i32
    %dma_wait3A_499 = tpu.memref_slice %arg2[%dma_wait3A_485, %dma_wait3A_498, %mul3A_2] : memref<100x64x16384xf32, #tpu.memory_space<hbm>> -> memref<1x32x512xf32, #tpu.memory_space<hbm>>
    %dma_wait3A_500 = tpu.memref_squeeze %dma_wait3A_499 : memref<1x32x512xf32, #tpu.memory_space<hbm>> -> memref<32x512xf32, #tpu.memory_space<hbm>>
    tpu.wait_dma2 semaphore(%arg7 : memref<!tpu.dma_semaphore, #tpu.memory_space<semaphore_mem>>) src(%dma_wait3A_500 : memref<32x512xf32, #tpu.memory_space<hbm>>) dst(%dma_wait3A_497 : memref<32x512xf32, #tpu.memory_space<vmem>>)
    %dma_wait3A_501 = arith.constant 4 : i32
    %dma_wait3A_502 = arith.constant 0 : i32
    %dma_wait3A_503 = arith.constant 0 : i32
    %dma_wait3A_504 = arith.constant 0 : i32
    %dma_wait3A_505 = tpu.memref_slice %arg4[%dma_wait3A_501, %dma_wait3A_503, %dma_wait3A_504] : memref<6x32x512xf32, #tpu.memory_space<vmem>> -> memref<1x32x512xf32, #tpu.memory_space<vmem>>
    %dma_wait3A_506 = tpu.memref_squeeze %dma_wait3A_505 : memref<1x32x512xf32, #tpu.memory_space<vmem>> -> memref<32x512xf32, #tpu.memory_space<vmem>>
    %dma_wait3A_507 = arith.constant 0 : i32
    %dma_wait3A_508 = tpu.memref_slice %arg3[%dma_wait3A_502, %dma_wait3A_507, %mul3A_2] : memref<50x64x16384xf32, #tpu.memory_space<hbm>> -> memref<1x32x512xf32, #tpu.memory_space<hbm>>
    %dma_wait3A_509 = tpu.memref_squeeze %dma_wait3A_508 : memref<1x32x512xf32, #tpu.memory_space<hbm>> -> memref<32x512xf32, #tpu.memory_space<hbm>>
    %dma_wait3A_510 = arith.constant 0 : i32
    %dma_wait3A_511 = tpu.memref_slice %arg3[%dma_wait3A_502, %dma_wait3A_510, %mul3A_2] : memref<50x64x16384xf32, #tpu.memory_space<hbm>> -> memref<1x32x512xf32, #tpu.memory_space<hbm>>
    %dma_wait3A_512 = tpu.memref_squeeze %dma_wait3A_511 : memref<1x32x512xf32, #tpu.memory_space<hbm>> -> memref<32x512xf32, #tpu.memory_space<hbm>>
    %dma_wait3A_513 = arith.constant 0 : i32
    %dma_wait3A_514 = arith.constant 0 : i32
    %dma_wait3A_515 = tpu.memref_slice %arg4[%dma_wait3A_501, %dma_wait3A_513, %dma_wait3A_514] : memref<6x32x512xf32, #tpu.memory_space<vmem>> -> memref<1x32x512xf32, #tpu.memory_space<vmem>>
    %dma_wait3A_516 = tpu.memref_squeeze %dma_wait3A_515 : memref<1x32x512xf32, #tpu.memory_space<vmem>> -> memref<32x512xf32, #tpu.memory_space<vmem>>
    tpu.wait_dma2 semaphore(%arg15 : memref<!tpu.dma_semaphore, #tpu.memory_space<semaphore_mem>>) src(%dma_wait3A_516 : memref<32x512xf32, #tpu.memory_space<vmem>>) dst(%dma_wait3A_512 : memref<32x512xf32, #tpu.memory_space<hbm>>)
    %dma_start3A_517 = arith.constant 2 : i32
    %dma_start3A_518 = arith.constant 49 : i32
    %dma_start3A_519 = arith.constant 0 : i32
    %dma_start3A_520 = arith.constant 0 : i32
    %dma_start3A_521 = tpu.memref_slice %arg4[%dma_start3A_517, %dma_start3A_519, %dma_start3A_520] : memref<6x32x512xf32, #tpu.memory_space<vmem>> -> memref<1x32x512xf32, #tpu.memory_space<vmem>>
    %dma_start3A_522 = tpu.memref_squeeze %dma_start3A_521 : memref<1x32x512xf32, #tpu.memory_space<vmem>> -> memref<32x512xf32, #tpu.memory_space<vmem>>
    %dma_start3A_523 = arith.constant 0 : i32
    %dma_start3A_524 = tpu.memref_slice %arg3[%dma_start3A_518, %dma_start3A_523, %mul3A_2] : memref<50x64x16384xf32, #tpu.memory_space<hbm>> -> memref<1x32x512xf32, #tpu.memory_space<hbm>>
    %dma_start3A_525 = tpu.memref_squeeze %dma_start3A_524 : memref<1x32x512xf32, #tpu.memory_space<hbm>> -> memref<32x512xf32, #tpu.memory_space<hbm>>
    %dma_start3A_526 = arith.constant 0 : i32
    %dma_start3A_527 = tpu.memref_slice %arg3[%dma_start3A_518, %dma_start3A_526, %mul3A_2] : memref<50x64x16384xf32, #tpu.memory_space<hbm>> -> memref<1x32x512xf32, #tpu.memory_space<hbm>>
    %dma_start3A_528 = tpu.memref_squeeze %dma_start3A_527 : memref<1x32x512xf32, #tpu.memory_space<hbm>> -> memref<32x512xf32, #tpu.memory_space<hbm>>
    %dma_start3A_529 = arith.constant 0 : i32
    %dma_start3A_530 = arith.constant 0 : i32
    %dma_start3A_531 = tpu.memref_slice %arg4[%dma_start3A_517, %dma_start3A_529, %dma_start3A_530] : memref<6x32x512xf32, #tpu.memory_space<vmem>> -> memref<1x32x512xf32, #tpu.memory_space<vmem>>
    %dma_start3A_532 = tpu.memref_squeeze %dma_start3A_531 : memref<1x32x512xf32, #tpu.memory_space<vmem>> -> memref<32x512xf32, #tpu.memory_space<vmem>>
    tpu.enqueue_dma source(%dma_start3A_532 : memref<32x512xf32, #tpu.memory_space<vmem>>) target(%dma_start3A_528 : memref<32x512xf32, #tpu.memory_space<hbm>>) target_semaphore(%arg13 : memref<!tpu.dma_semaphore, #tpu.memory_space<semaphore_mem>>)
    %dma_wait3A_533 = arith.constant 0 : i32
    %dma_wait3A_534 = arith.constant 3 : i32
    %dma_wait3A_535 = arith.constant 0 : i32
    %dma_wait3A_536 = arith.constant 0 : i32
    %dma_wait3A_537 = tpu.memref_slice %arg4[%dma_wait3A_534, %dma_wait3A_535, %dma_wait3A_536] : memref<6x32x512xf32, #tpu.memory_space<vmem>> -> memref<1x32x512xf32, #tpu.memory_space<vmem>>
    %dma_wait3A_538 = tpu.memref_squeeze %dma_wait3A_537 : memref<1x32x512xf32, #tpu.memory_space<vmem>> -> memref<32x512xf32, #tpu.memory_space<vmem>>
    %dma_wait3A_539 = arith.constant 0 : i32
    %dma_wait3A_540 = tpu.memref_slice %arg2[%dma_wait3A_533, %dma_wait3A_539, %mul3A_2] : memref<100x64x16384xf32, #tpu.memory_space<hbm>> -> memref<1x32x512xf32, #tpu.memory_space<hbm>>
    %dma_wait3A_541 = tpu.memref_squeeze %dma_wait3A_540 : memref<1x32x512xf32, #tpu.memory_space<hbm>> -> memref<32x512xf32, #tpu.memory_space<hbm>>
    %dma_wait3A_542 = arith.constant 0 : i32
    %dma_wait3A_543 = arith.constant 0 : i32
    %dma_wait3A_544 = tpu.memref_slice %arg4[%dma_wait3A_534, %dma_wait3A_542, %dma_wait3A_543] : memref<6x32x512xf32, #tpu.memory_space<vmem>> -> memref<1x32x512xf32, #tpu.memory_space<vmem>>
    %dma_wait3A_545 = tpu.memref_squeeze %dma_wait3A_544 : memref<1x32x512xf32, #tpu.memory_space<vmem>> -> memref<32x512xf32, #tpu.memory_space<vmem>>
    %dma_wait3A_546 = arith.constant 0 : i32
    %dma_wait3A_547 = tpu.memref_slice %arg2[%dma_wait3A_533, %dma_wait3A_546, %mul3A_2] : memref<100x64x16384xf32, #tpu.memory_space<hbm>> -> memref<1x32x512xf32, #tpu.memory_space<hbm>>
    %dma_wait3A_548 = tpu.memref_squeeze %dma_wait3A_547 : memref<1x32x512xf32, #tpu.memory_space<hbm>> -> memref<32x512xf32, #tpu.memory_space<hbm>>
    tpu.wait_dma2 semaphore(%arg8 : memref<!tpu.dma_semaphore, #tpu.memory_space<semaphore_mem>>) src(%dma_wait3A_548 : memref<32x512xf32, #tpu.memory_space<hbm>>) dst(%dma_wait3A_545 : memref<32x512xf32, #tpu.memory_space<vmem>>)
    %dma_wait3A_549 = arith.constant 5 : i32
    %dma_wait3A_550 = arith.constant 0 : i32
    %dma_wait3A_551 = arith.constant 0 : i32
    %dma_wait3A_552 = arith.constant 0 : i32
    %dma_wait3A_553 = tpu.memref_slice %arg4[%dma_wait3A_549, %dma_wait3A_551, %dma_wait3A_552] : memref<6x32x512xf32, #tpu.memory_space<vmem>> -> memref<1x32x512xf32, #tpu.memory_space<vmem>>
    %dma_wait3A_554 = tpu.memref_squeeze %dma_wait3A_553 : memref<1x32x512xf32, #tpu.memory_space<vmem>> -> memref<32x512xf32, #tpu.memory_space<vmem>>
    %dma_wait3A_555 = arith.constant 0 : i32
    %dma_wait3A_556 = tpu.memref_slice %arg3[%dma_wait3A_550, %dma_wait3A_555, %mul3A_2] : memref<50x64x16384xf32, #tpu.memory_space<hbm>> -> memref<1x32x512xf32, #tpu.memory_space<hbm>>
    %dma_wait3A_557 = tpu.memref_squeeze %dma_wait3A_556 : memref<1x32x512xf32, #tpu.memory_space<hbm>> -> memref<32x512xf32, #tpu.memory_space<hbm>>
    %dma_wait3A_558 = arith.constant 0 : i32
    %dma_wait3A_559 = tpu.memref_slice %arg3[%dma_wait3A_550, %dma_wait3A_558, %mul3A_2] : memref<50x64x16384xf32, #tpu.memory_space<hbm>> -> memref<1x32x512xf32, #tpu.memory_space<hbm>>
    %dma_wait3A_560 = tpu.memref_squeeze %dma_wait3A_559 : memref<1x32x512xf32, #tpu.memory_space<hbm>> -> memref<32x512xf32, #tpu.memory_space<hbm>>
    %dma_wait3A_561 = arith.constant 0 : i32
    %dma_wait3A_562 = arith.constant 0 : i32
    %dma_wait3A_563 = tpu.memref_slice %arg4[%dma_wait3A_549, %dma_wait3A_561, %dma_wait3A_562] : memref<6x32x512xf32, #tpu.memory_space<vmem>> -> memref<1x32x512xf32, #tpu.memory_space<vmem>>
    %dma_wait3A_564 = tpu.memref_squeeze %dma_wait3A_563 : memref<1x32x512xf32, #tpu.memory_space<vmem>> -> memref<32x512xf32, #tpu.memory_space<vmem>>
    tpu.wait_dma2 semaphore(%arg16 : memref<!tpu.dma_semaphore, #tpu.memory_space<semaphore_mem>>) src(%dma_wait3A_564 : memref<32x512xf32, #tpu.memory_space<vmem>>) dst(%dma_wait3A_560 : memref<32x512xf32, #tpu.memory_space<hbm>>)
    %dma_start3A_565 = arith.constant 3 : i32
    %dma_start3A_566 = arith.constant 49 : i32
    %dma_start3A_567 = arith.constant 0 : i32
    %dma_start3A_568 = arith.constant 0 : i32
    %dma_start3A_569 = tpu.memref_slice %arg4[%dma_start3A_565, %dma_start3A_567, %dma_start3A_568] : memref<6x32x512xf32, #tpu.memory_space<vmem>> -> memref<1x32x512xf32, #tpu.memory_space<vmem>>
    %dma_start3A_570 = tpu.memref_squeeze %dma_start3A_569 : memref<1x32x512xf32, #tpu.memory_space<vmem>> -> memref<32x512xf32, #tpu.memory_space<vmem>>
    %dma_start3A_571 = arith.constant 32 : i32
    %dma_start3A_572 = tpu.memref_slice %arg3[%dma_start3A_566, %dma_start3A_571, %mul3A_2] : memref<50x64x16384xf32, #tpu.memory_space<hbm>> -> memref<1x32x512xf32, #tpu.memory_space<hbm>>
    %dma_start3A_573 = tpu.memref_squeeze %dma_start3A_572 : memref<1x32x512xf32, #tpu.memory_space<hbm>> -> memref<32x512xf32, #tpu.memory_space<hbm>>
    %dma_start3A_574 = arith.constant 32 : i32
    %dma_start3A_575 = tpu.memref_slice %arg3[%dma_start3A_566, %dma_start3A_574, %mul3A_2] : memref<50x64x16384xf32, #tpu.memory_space<hbm>> -> memref<1x32x512xf32, #tpu.memory_space<hbm>>
    %dma_start3A_576 = tpu.memref_squeeze %dma_start3A_575 : memref<1x32x512xf32, #tpu.memory_space<hbm>> -> memref<32x512xf32, #tpu.memory_space<hbm>>
    %dma_start3A_577 = arith.constant 0 : i32
    %dma_start3A_578 = arith.constant 0 : i32
    %dma_start3A_579 = tpu.memref_slice %arg4[%dma_start3A_565, %dma_start3A_577, %dma_start3A_578] : memref<6x32x512xf32, #tpu.memory_space<vmem>> -> memref<1x32x512xf32, #tpu.memory_space<vmem>>
    %dma_start3A_580 = tpu.memref_squeeze %dma_start3A_579 : memref<1x32x512xf32, #tpu.memory_space<vmem>> -> memref<32x512xf32, #tpu.memory_space<vmem>>
    tpu.enqueue_dma source(%dma_start3A_580 : memref<32x512xf32, #tpu.memory_space<vmem>>) target(%dma_start3A_576 : memref<32x512xf32, #tpu.memory_space<hbm>>) target_semaphore(%arg14 : memref<!tpu.dma_semaphore, #tpu.memory_space<semaphore_mem>>)
    %dma_wait3A_581 = arith.constant 0 : i32
    %dma_wait3A_582 = arith.constant 0 : i32
    %dma_wait3A_583 = arith.constant 0 : i32
    %dma_wait3A_584 = arith.constant 0 : i32
    %dma_wait3A_585 = tpu.memref_slice %arg4[%dma_wait3A_581, %dma_wait3A_583, %dma_wait3A_584] : memref<6x32x512xf32, #tpu.memory_space<vmem>> -> memref<1x32x512xf32, #tpu.memory_space<vmem>>
    %dma_wait3A_586 = tpu.memref_squeeze %dma_wait3A_585 : memref<1x32x512xf32, #tpu.memory_space<vmem>> -> memref<32x512xf32, #tpu.memory_space<vmem>>
    %dma_wait3A_587 = arith.constant 0 : i32
    %dma_wait3A_588 = tpu.memref_slice %arg3[%dma_wait3A_582, %dma_wait3A_587, %mul3A_2] : memref<50x64x16384xf32, #tpu.memory_space<hbm>> -> memref<1x32x512xf32, #tpu.memory_space<hbm>>
    %dma_wait3A_589 = tpu.memref_squeeze %dma_wait3A_588 : memref<1x32x512xf32, #tpu.memory_space<hbm>> -> memref<32x512xf32, #tpu.memory_space<hbm>>
    %dma_wait3A_590 = arith.constant 0 : i32
    %dma_wait3A_591 = tpu.memref_slice %arg3[%dma_wait3A_582, %dma_wait3A_590, %mul3A_2] : memref<50x64x16384xf32, #tpu.memory_space<hbm>> -> memref<1x32x512xf32, #tpu.memory_space<hbm>>
    %dma_wait3A_592 = tpu.memref_squeeze %dma_wait3A_591 : memref<1x32x512xf32, #tpu.memory_space<hbm>> -> memref<32x512xf32, #tpu.memory_space<hbm>>
    %dma_wait3A_593 = arith.constant 0 : i32
    %dma_wait3A_594 = arith.constant 0 : i32
    %dma_wait3A_595 = tpu.memref_slice %arg4[%dma_wait3A_581, %dma_wait3A_593, %dma_wait3A_594] : memref<6x32x512xf32, #tpu.memory_space<vmem>> -> memref<1x32x512xf32, #tpu.memory_space<vmem>>
    %dma_wait3A_596 = tpu.memref_squeeze %dma_wait3A_595 : memref<1x32x512xf32, #tpu.memory_space<vmem>> -> memref<32x512xf32, #tpu.memory_space<vmem>>
    tpu.wait_dma2 semaphore(%arg11 : memref<!tpu.dma_semaphore, #tpu.memory_space<semaphore_mem>>) src(%dma_wait3A_596 : memref<32x512xf32, #tpu.memory_space<vmem>>) dst(%dma_wait3A_592 : memref<32x512xf32, #tpu.memory_space<hbm>>)
    %dma_wait3A_597 = arith.constant 1 : i32
    %dma_wait3A_598 = arith.constant 0 : i32
    %dma_wait3A_599 = arith.constant 0 : i32
    %dma_wait3A_600 = arith.constant 0 : i32
    %dma_wait3A_601 = tpu.memref_slice %arg4[%dma_wait3A_597, %dma_wait3A_599, %dma_wait3A_600] : memref<6x32x512xf32, #tpu.memory_space<vmem>> -> memref<1x32x512xf32, #tpu.memory_space<vmem>>
    %dma_wait3A_602 = tpu.memref_squeeze %dma_wait3A_601 : memref<1x32x512xf32, #tpu.memory_space<vmem>> -> memref<32x512xf32, #tpu.memory_space<vmem>>
    %dma_wait3A_603 = arith.constant 0 : i32
    %dma_wait3A_604 = tpu.memref_slice %arg3[%dma_wait3A_598, %dma_wait3A_603, %mul3A_2] : memref<50x64x16384xf32, #tpu.memory_space<hbm>> -> memref<1x32x512xf32, #tpu.memory_space<hbm>>
    %dma_wait3A_605 = tpu.memref_squeeze %dma_wait3A_604 : memref<1x32x512xf32, #tpu.memory_space<hbm>> -> memref<32x512xf32, #tpu.memory_space<hbm>>
    %dma_wait3A_606 = arith.constant 0 : i32
    %dma_wait3A_607 = tpu.memref_slice %arg3[%dma_wait3A_598, %dma_wait3A_606, %mul3A_2] : memref<50x64x16384xf32, #tpu.memory_space<hbm>> -> memref<1x32x512xf32, #tpu.memory_space<hbm>>
    %dma_wait3A_608 = tpu.memref_squeeze %dma_wait3A_607 : memref<1x32x512xf32, #tpu.memory_space<hbm>> -> memref<32x512xf32, #tpu.memory_space<hbm>>
    %dma_wait3A_609 = arith.constant 0 : i32
    %dma_wait3A_610 = arith.constant 0 : i32
    %dma_wait3A_611 = tpu.memref_slice %arg4[%dma_wait3A_597, %dma_wait3A_609, %dma_wait3A_610] : memref<6x32x512xf32, #tpu.memory_space<vmem>> -> memref<1x32x512xf32, #tpu.memory_space<vmem>>
    %dma_wait3A_612 = tpu.memref_squeeze %dma_wait3A_611 : memref<1x32x512xf32, #tpu.memory_space<vmem>> -> memref<32x512xf32, #tpu.memory_space<vmem>>
    tpu.wait_dma2 semaphore(%arg12 : memref<!tpu.dma_semaphore, #tpu.memory_space<semaphore_mem>>) src(%dma_wait3A_612 : memref<32x512xf32, #tpu.memory_space<vmem>>) dst(%dma_wait3A_608 : memref<32x512xf32, #tpu.memory_space<hbm>>)
    %dma_wait3A_613 = arith.constant 2 : i32
    %dma_wait3A_614 = arith.constant 0 : i32
    %dma_wait3A_615 = arith.constant 0 : i32
    %dma_wait3A_616 = arith.constant 0 : i32
    %dma_wait3A_617 = tpu.memref_slice %arg4[%dma_wait3A_613, %dma_wait3A_615, %dma_wait3A_616] : memref<6x32x512xf32, #tpu.memory_space<vmem>> -> memref<1x32x512xf32, #tpu.memory_space<vmem>>
    %dma_wait3A_618 = tpu.memref_squeeze %dma_wait3A_617 : memref<1x32x512xf32, #tpu.memory_space<vmem>> -> memref<32x512xf32, #tpu.memory_space<vmem>>
    %dma_wait3A_619 = arith.constant 0 : i32
    %dma_wait3A_620 = tpu.memref_slice %arg3[%dma_wait3A_614, %dma_wait3A_619, %mul3A_2] : memref<50x64x16384xf32, #tpu.memory_space<hbm>> -> memref<1x32x512xf32, #tpu.memory_space<hbm>>
    %dma_wait3A_621 = tpu.memref_squeeze %dma_wait3A_620 : memref<1x32x512xf32, #tpu.memory_space<hbm>> -> memref<32x512xf32, #tpu.memory_space<hbm>>
    %dma_wait3A_622 = arith.constant 0 : i32
    %dma_wait3A_623 = tpu.memref_slice %arg3[%dma_wait3A_614, %dma_wait3A_622, %mul3A_2] : memref<50x64x16384xf32, #tpu.memory_space<hbm>> -> memref<1x32x512xf32, #tpu.memory_space<hbm>>
    %dma_wait3A_624 = tpu.memref_squeeze %dma_wait3A_623 : memref<1x32x512xf32, #tpu.memory_space<hbm>> -> memref<32x512xf32, #tpu.memory_space<hbm>>
    %dma_wait3A_625 = arith.constant 0 : i32
    %dma_wait3A_626 = arith.constant 0 : i32
    %dma_wait3A_627 = tpu.memref_slice %arg4[%dma_wait3A_613, %dma_wait3A_625, %dma_wait3A_626] : memref<6x32x512xf32, #tpu.memory_space<vmem>> -> memref<1x32x512xf32, #tpu.memory_space<vmem>>
    %dma_wait3A_628 = tpu.memref_squeeze %dma_wait3A_627 : memref<1x32x512xf32, #tpu.memory_space<vmem>> -> memref<32x512xf32, #tpu.memory_space<vmem>>
    tpu.wait_dma2 semaphore(%arg13 : memref<!tpu.dma_semaphore, #tpu.memory_space<semaphore_mem>>) src(%dma_wait3A_628 : memref<32x512xf32, #tpu.memory_space<vmem>>) dst(%dma_wait3A_624 : memref<32x512xf32, #tpu.memory_space<hbm>>)
    %dma_wait3A_629 = arith.constant 3 : i32
    %dma_wait3A_630 = arith.constant 0 : i32
    %dma_wait3A_631 = arith.constant 0 : i32
    %dma_wait3A_632 = arith.constant 0 : i32
    %dma_wait3A_633 = tpu.memref_slice %arg4[%dma_wait3A_629, %dma_wait3A_631, %dma_wait3A_632] : memref<6x32x512xf32, #tpu.memory_space<vmem>> -> memref<1x32x512xf32, #tpu.memory_space<vmem>>
    %dma_wait3A_634 = tpu.memref_squeeze %dma_wait3A_633 : memref<1x32x512xf32, #tpu.memory_space<vmem>> -> memref<32x512xf32, #tpu.memory_space<vmem>>
    %dma_wait3A_635 = arith.constant 0 : i32
    %dma_wait3A_636 = tpu.memref_slice %arg3[%dma_wait3A_630, %dma_wait3A_635, %mul3A_2] : memref<50x64x16384xf32, #tpu.memory_space<hbm>> -> memref<1x32x512xf32, #tpu.memory_space<hbm>>
    %dma_wait3A_637 = tpu.memref_squeeze %dma_wait3A_636 : memref<1x32x512xf32, #tpu.memory_space<hbm>> -> memref<32x512xf32, #tpu.memory_space<hbm>>
    %dma_wait3A_638 = arith.constant 0 : i32
    %dma_wait3A_639 = tpu.memref_slice %arg3[%dma_wait3A_630, %dma_wait3A_638, %mul3A_2] : memref<50x64x16384xf32, #tpu.memory_space<hbm>> -> memref<1x32x512xf32, #tpu.memory_space<hbm>>
    %dma_wait3A_640 = tpu.memref_squeeze %dma_wait3A_639 : memref<1x32x512xf32, #tpu.memory_space<hbm>> -> memref<32x512xf32, #tpu.memory_space<hbm>>
    %dma_wait3A_641 = arith.constant 0 : i32
    %dma_wait3A_642 = arith.constant 0 : i32
    %dma_wait3A_643 = tpu.memref_slice %arg4[%dma_wait3A_629, %dma_wait3A_641, %dma_wait3A_642] : memref<6x32x512xf32, #tpu.memory_space<vmem>> -> memref<1x32x512xf32, #tpu.memory_space<vmem>>
    %dma_wait3A_644 = tpu.memref_squeeze %dma_wait3A_643 : memref<1x32x512xf32, #tpu.memory_space<vmem>> -> memref<32x512xf32, #tpu.memory_space<vmem>>
    tpu.wait_dma2 semaphore(%arg14 : memref<!tpu.dma_semaphore, #tpu.memory_space<semaphore_mem>>) src(%dma_wait3A_644 : memref<32x512xf32, #tpu.memory_space<vmem>>) dst(%dma_wait3A_640 : memref<32x512xf32, #tpu.memory_space<hbm>>)
    return
  }
}

</mosaic_0001>

<sc_bundles>
// kernel: kernel.3.cloned.1.call-start
scs
__scs_entry_jumppad:
0x0: {  	(pc) =	sbr.rel $0x88, $3  }
0x1: {  	(tag) =	ssettag $0x0;
	lr =	simm.s32 $0x1  }
0x2: {  	[smem:$0x3FA0] =	sst lr;
	_ =	strace $0xD0000000  }
0x3: {  	_ = 	snop  }
0x4: {  	_ = 	snop  }
0x5: {  	_ = 	snop  }
0x6: {  	_ = 	snop  }
0x7: {  	_ = 	snop  }
__scs_overlays_trampoline_lowered:
0x8: {  	[smem:$0x3FAF] =	sst s0  }
0x9: {  	[smem:$0x3FB0] =	sst s1  }
0xa: {  	[smem:$0x3FB1] =	sst s2  }
0xb: {  	[smem:$0x3FB2] =	sst s3  }
0xc: {  	[smem:$0x3FB3] =	sst s4  }
0xd: {  	[smem:$0x3FB4] =	sst s5  }
0xe: {  	[smem:$0x3FB5] =	sst s6  }
0xf: {  	[smem:$0x3FB6] =	sst s7  }
0x10: {  	[smem:$0x3FB7] =	sst s8  }
0x11: {  	[smem:$0x3FB8] =	sst s9;
	s0 =	simm.s32 @!p0 $0x0  }
0x12: {  	s1 =	sld [smem:$0x3F9E];
	s0 =	simm.s32 @p0 $0x1  }
0x13: {  	[smem:$0x3FB9] =	sst s0;
	s0 =	simm.s32 @!p1 $0x0  }
0x14: {  	s2 =	sld [smem:$0x3F9D];
	s0 =	simm.s32 @p1 $0x1  }
0x15: {  	[smem:$0x3FBA] =	sst s0;
	s0 =	simm.s32 @!p2 $0x0  }
0x16: {  	s3 =	sld [smem:$0x3FDB];
	s0 =	simm.s32 @p2 $0x1  }
0x17: {  	s4 =	simm.s32 $0x1BF5;
	[smem:$0x3FBC] =	sst s0  }
0x18: {  	s0 =	sld [smem:$0x3F9F];
	_ =	swait.ge [sflag:s4], $0x0  }
0x19: {  	s7 =	sld [smem:$0x3FA0]  }
0x1a: {  	s8 =	sadd.s32 $0xFFFFE003, lr  }
0x1b: {  	s9 =	sadd.s32 $0xFFFFFEF7, lr;
	s5 =	simm.s32 $0xFFFFFFFF;
	p2 =	slt.u32 s8, $0xFFFFF086  }
0x1c: {  	p1 =	slt.u32 s9, $0xF7A;
	s5 =	simm.s32 @!p2 $0x0  }
0x1d: {  	s5 =	simm.s32 @p1 $0x1;
	p0 =	seq.s32 s7, s2  }
0x1e: {  	s7 =	smul.u32 @!p0 $0xF7A, s2;
	p2 =	seq.s32 @!p0 s5, $0x0  }
0x1f: {  	s9 =	smul.u32 $0xF7A, s1;
	s8 =	simm.s32 @!p0 $0x1BF5;
	p2 =	por !p2, p0  }
0x20: {  	[sflag:s8] =	ssyncset.s32 @!p0 $0xFFFFF086;
	s6 =	sadd.s32 @!p0 s3, s7;
	s7 =	simm.s32 @!p0 $0x108  }
0x21: {  	s3 =	sadd.s32 s3, s9;
	s6 =	sadd.s32 @!p0 $0x88, s6;
	s7 =	simm.s32 @p2 $0x1082  }
0x22: {  	[simem:s7], [sflag:s8] =	dma.local @!p0 [hbm:s6], $0xF7A  }
0x23: {  	s9 =	sor.u32 $0xD0000000, s2;
	s6 =	simm.s32 $0x108;
	_ =	swait.ge @!p0 [sflag:s8], $0x0  }
0x24: {  	s3 =	sadd.s32 $0x88, s3;
	s6 =	simm.s32 @!p1 $0x1082;
	[sflag:s4] =	ssyncset.s32 $0xFFFFF086  }
0x25: {  	[simem:s6], [sflag:s4] =	dma.local [hbm:s3], $0xF7A  }
0x26: {  	[smem:$0x3FA0] =	sst s1;
	(tag) =	ssettag s2;
	_ =	strace s9  }
0x27: {  	s1 =	sld [smem:$0x3FB0]  }
0x28: {  	s2 =	sld [smem:$0x3FB1]  }
0x29: {  	s4 =	sld [smem:$0x3FB3]  }
0x2a: {  	p0 =	seq.s32 s5, $0x0;
	s5 =	sld [smem:$0x3FB4]  }
0x2b: {  	s6 =	sld [smem:$0x3FB5]  }
0x2c: {  	s7 =	sld [smem:$0x3FB6]  }
0x2d: {  	s3 =	simm.s32 $0x108;
	s8 =	sld [smem:$0x3FB7]  }
0x2e: {  	s3 =	simm.s32 @!p0 $0x1082;
	s9 =	sld [smem:$0x3FB8]  }
0x2f: {  	lr =	sadd.s32 s0, s3;
	s0 =	sld [smem:$0x3FAF]  }
0x30: {  	s3 =	sld [smem:$0x3FB2]  }
0x31: {  	[smem:$0x3FBB] =	sst s10  }
0x32: {  	s10 =	sld [smem:$0x3FB9];
	_ =	sdelay $0x3  }
0x33: {  	p0 =	seq.s32 s10, $0x1;
	s10 =	sld [smem:$0x3FBB];
	_ =	sdelay $0x3  }
0x34: {  	[smem:$0x3FBB] =	sst s10  }
0x35: {  	s10 =	sld [smem:$0x3FBA];
	_ =	sdelay $0x3  }
0x36: {  	p1 =	seq.s32 s10, $0x1;
	s10 =	sld [smem:$0x3FBB];
	_ =	sdelay $0x3  }
0x37: {  	[smem:$0x3FBB] =	sst s10  }
0x38: {  	s10 =	sld [smem:$0x3FBC]  }
0x39: {  	_ = 	snop;
	(pc) =	sbr.ind lr, $3  }
0x3a: {  	_ = 	snop  }
0x3b: {  	_ = 	snop  }
0x3c: {  	p2 =	seq.s32 s10, $0x1;
	s10 =	sld [smem:$0x3FBB]  }
0x3d: {  	_ =	shalt  }
0x3e: {  	_ =	shalt  }
0x3f: {  	_ =	shalt  }
0x40: {  	_ =	shalt  }
0x41: {  	_ =	shalt  }
0x42: {  	_ =	shalt  }
0x43: {  	_ =	shalt  }
0x44: {  	_ =	shalt  }
0x45: {  	_ =	shalt  }
0x46: {  	_ =	shalt  }
0x47: {  	_ =	shalt  }
0x48: {  	_ =	shalt  }
0x49: {  	_ =	shalt  }
0x4a: {  	_ =	shalt  }
0x4b: {  	_ =	shalt  }
0x4c: {  	_ =	shalt  }
0x4d: {  	_ =	shalt  }
0x4e: {  	_ =	shalt  }
0x4f: {  	_ =	shalt  }
0x50: {  	_ =	shalt  }
0x51: {  	_ =	shalt  }
0x52: {  	_ =	shalt  }
0x53: {  	_ =	shalt  }
0x54: {  	_ =	shalt  }
0x55: {  	_ =	shalt  }
0x56: {  	_ =	shalt  }
0x57: {  	_ =	shalt  }
0x58: {  	_ =	shalt  }
0x59: {  	_ =	shalt  }
0x5a: {  	_ =	shalt  }
0x5b: {  	_ =	shalt  }
0x5c: {  	_ =	shalt  }
0x5d: {  	_ =	shalt  }
0x5e: {  	_ =	shalt  }
0x5f: {  	_ =	shalt  }
0x60: {  	_ =	shalt  }
0x61: {  	_ =	shalt  }
0x62: {  	_ =	shalt  }
0x63: {  	_ =	shalt  }
0x64: {  	_ =	shalt  }
0x65: {  	_ =	shalt  }
0x66: {  	_ =	shalt  }
0x67: {  	_ =	shalt  }
0x68: {  	_ =	shalt  }
0x69: {  	_ =	shalt  }
0x6a: {  	_ =	shalt  }
0x6b: {  	_ =	shalt  }
0x6c: {  	_ =	shalt  }
0x6d: {  	_ =	shalt  }
0x6e: {  	_ =	shalt  }
0x6f: {  	_ =	shalt  }
0x70: {  	_ =	shalt  }
0x71: {  	_ =	shalt  }
0x72: {  	_ =	shalt  }
0x73: {  	_ =	shalt  }
0x74: {  	_ =	shalt  }
0x75: {  	_ =	shalt  }
0x76: {  	_ =	shalt  }
0x77: {  	_ =	shalt  }
0x78: {  	_ =	shalt  }
0x79: {  	_ =	shalt  }
0x7a: {  	_ =	shalt  }
0x7b: {  	_ =	shalt  }
0x7c: {  	_ =	shalt  }
0x7d: {  	_ =	shalt  }
0x7e: {  	_ =	shalt  }
0x7f: {  	_ =	shalt  }
0x80: {  	_ =	shalt  }
0x81: {  	_ =	shalt  }
0x82: {  	_ =	shalt  }
0x83: {  	_ =	shalt  }
0x84: {  	_ =	shalt  }
0x85: {  	_ =	shalt  }
0x86: {  	_ =	shalt  }
0x87: {  	_ =	shalt  }
.Lfunc_end0:
.L_simem_size_0:
called_computation_lowered:
.L_overlay_start_0:
0x88: {  	s2 =	sld [smem:$0x3FD9]  }
0x89: {  	s3 =	sld [smem:$0x3FFE];
	_ =	sdelay $0x1  }
0x8a: {  	s1 =	srdreg.scid  }
0x8b: {  	s0 =	sand.u32 $0x1, s1  }
0x8c: {  	s18 =	sshll.u32 s0, $0xA;
	s2 =	sadd.s32 s3, s2  }
0x8d: {  	s2 =	sadd.s32 s2, s18  }
0x8e: {  	[smem:$0x3FC7] =	sst s2  }
0x8f: {  	_ = 	snop  }
0x90: {  	s2 =	sld [smem:$0x3FC9]  }
0x91: {  	s19 =	sld [smem:$0x3FD0];
	(tm) =	ssettm $0x1  }
0x92: {  	s4 =	sld [smem:$0x3FFB];
	_ =	sdelay $0x3  }
0x93: {  	_ =	strace s4  }
0x94: {  	s4 =	sld [smem:$0x3FFC];
	_ =	sdelay $0x3  }
0x95: {  	_ =	strace s4  }
0x96: {  	s4 =	sld [smem:$0x3FFD];
	_ =	sdelay $0x3  }
0x97: {  	_ =	strace s4  }
0x98: {  	_ =	strace $0x8FFFFFFF  }
0x99: {  	s20 =	sld [smem:$0x3FDB];
	_ =	sdelay $0x1  }
0x9a: {  	s5 =	simm.s32 $_scs_section_size  }
0x9b: {  	s6 =	simm.s32 $_size__tile_overlayer_lowered;
	s7 =	simm.s32 $_tile_overlayer_lowered  }
0x9c: {  	s23 =	simm.s32 $0x1BFF;
	s22 =	sshll.u32 s7, $0x1;
	s4 =	sadd.s32 s5, s20  }
0x9d: {  	s8 =	simm.s32 $0x0;
	s21 =	sshll.u32 s6, $0x1;
	s6 =	sadd.s32 s22, s4  }
0x9e: {  	[timem:s8], [sflag:s23] =	dma.local [hbm:s6], s21  }
0x9f: {  	_ =	swait.ge [sflag:s23], s21  }
0xa0: {  	s5 =	ssub.s32 $0x0, s21;
	[sflag:s23] =	ssyncset.done $0x0  }
0xa1: {  	[sflag:s23] =	ssyncadd.s32 s5;
	_ =	sdelay $0x1  }
0xa2: {  	s24 =	simm.s32 $0x1B8B  }
0xa3: {  	_ =	swait.ge [sflag:s24], $0x1  }
0xa4: {  	[sflag:s24] =	ssyncset.done $0x0  }
0xa5: {  	s25 =	simm.s32 $0x1B8E;
	[sflag:s24] =	ssyncadd.s32 $0xFFFFFFFF  }
0xa6: {  	s26 =	simm.s32 $execute0_lowered;
	[smem:$0x3FD2] =	sst s25  }
0xa7: {  	s5 =	sshll.u32 s26, $0x1;
	_ =	strace $0x80000046;
	[dreg:$0x1] =	wrdreg $0xFFFFFFFF  }
0xa8: {  	s28 =	simm.s32 $_size_execute0_lowered;
	s4 =	sadd.s32 s4, s5;
	[dreg:$0x0] =	wrdreg $0x0  }
0xa9: {  	s5 =	sshll.u32 s28, $0x1;
	[dreg:$0x2] =	wrdreg s4  }
0xaa: {  	[dreg:$0x3] =	wrdreg s5  }
0xab: {  	[dreg:$0x4] =	wrdreg $0xC0  }
0xac: {  	_ =	task [dreg:s8], $0x5FFFF  }
0xad: {  	[dreg:$0x1] =	wrdreg $0xFFFFFFFF  }
0xae: {  	[dreg:$0x0] =	wrdreg $0x60  }
0xaf: {  	[dreg:$0x2] =	wrdreg s2  }
0xb0: {  	[dreg:$0x3] =	wrdreg s19  }
0xb1: {  	[dreg:$0x4] =	wrdreg $0x9  }
0xb2: {  	_ =	task.clear_ibuf [dreg:s8], $0x5FFFF;
	_ =	strace $0x90000046  }
0xb3: {  	s29 =	simm.s32 $0x9;
	_ =	strace $0x80000048  }
0xb4: {  	_ =	swait.ge [sflag:s29], $0x1  }
0xb5: {  	[sflag:s29] =	ssyncadd.s32 $0xFFFFFFFF  }
0xb6: {  	_ =	strace $0x90000048  }
0xb7: {  	_ =	sfence  }
0xb8: {  	s30 =	sld [smem:$0x0];
	_ =	sdelay $0x2  }
0xb9: {  	s31 =	sshll.u32 s1, $0xD;
	s1 =	sshrl.u32 s1, $0x2  }
0xba: {  	s3 =	sand.u32 $0x4000, s31;
	s1 =	sadd.s32 s1, s30  }
0xbb: {  	s0 =	sor.u32 s3, s0;
	s1 =	sshll.u32 s1, $0x11  }
0xbc: {  	s0 =	sor.u32 s1, s0  }
0xbd: {  	s0 =	sadd.s32 $0x8F2B, s0  }
0xbe: {  	[sflag:s0] =	ssyncadd.remote.s32 $0x1  }
0xbf: {  	_ =	sfence.sel $0xFFFF  }
0xc0: {  	[dreg:$0x0] =	wrdreg $0xFFFFFFFF;
	(pc) =	sbr.abs _section_cstart, $3  }
0xc1: {  	[dreg:$0x1] =	wrdreg $0xFFFFFFFF  }
0xc2: {  	_ =	task.clear_ibuf [dreg:s8], $0x2FFFF;
	_ =	strace $0x9FFFFFFF  }
0xc3: {  	(tm) =	ssettm $0x7FFFFFFF  }
tec
execute0_lowered:
.L_overlay_start_1:
0x0: {  	(tag) =	ssettag $0x1  }
0x1: {  	s1 =	srdreg.scid;
	s0 =	rddreg [dreg:$0x0]  }
0x2: {  	s3 =	stileid.u32;
	s2 =	rddreg [dreg:$0x1];
	s28 =	simm.s32 $0x4000  }
0x3: {  	s29 =	simm.s32 $0x1;
	s30 =	simm.s32 $0x8000;
	s31 =	simm.s32 $0x2  }
0x4: {  	s1 =	sand.u32 $0x1, s1;
	s4 =	sshll.u32 s3, $0xD;
	s3 =	simm.s32 $0x0  }
0x5: {  	s5 =	sshll.u32 s1, $0xC;
	[smem:$0x7FF] =	sst s3;
	s1 =	ssub.s32 $0x2, s1  }
0x6: {  	s5 =	sor.u32 s5, s4;
	_ =	strace $0x80000047;
	s17 =	sshrl.u32 s1, $0x1  }
0x7: {  	s7 =	sshrl.u32 s5, $0x3;
	s1 =	ssub.s32 s1, s17;
	s12 =	sor.u32 $0x480000, s5  }
0x8: {  	s24 =	sor.u32 $0xE80000, s5;
	s8 =	sor.u32 $0x10000, s7;
	s14 =	sshrl.u32 s12, $0x3  }
0x9: {  	s9 =	sor.u32 $0x40000, s7;
	s6 =	sadd.s32 s0, s8;
	[dreg:$0x5] =	wrdreg s14  }
0xa: {  	s26 =	sor.u32 $0xE00000, s5;
	s10 =	sadd.s32 s0, s9;
	[dreg:$0xb] =	wrdreg s6  }
0xb: {  	s4 =	sadd.s32 s0, s7;
	s8 =	sadd.s32 s2, s8;
	[dreg:$0xc] =	wrdreg s10  }
0xc: {  	s16 =	sor.u32 $0x400000, s5;
	s20 =	sadd.s32 $0x80000, s4;
	[dreg:$0xd] =	wrdreg s8  }
0xd: {  	s17 =	sor.u32 $0x600000, s5;
	s22 =	sadd.s32 $0x90000, s4;
	[dreg:$0x10] =	wrdreg s20  }
0xe: {  	s12 =	simm.s32 $0x8;
	s23 =	sadd.s32 s2, s9;
	[dreg:$0x12] =	wrdreg s22  }
0xf: {  	s25 =	sadd.s32 $0xC0000, s4;
	s13 =	sadd.s32 $0xD0000, s4;
	[dreg:$0x13] =	wrdreg s23  }
0x10: {  	s9 =	simm.s32 $0x5;
	s6 =	sadd.s32 s2, s7;
	[dreg:$0x14] =	wrdreg s25  }
0x11: {  	s7 =	sor.u32 $0x50000, s7;
	[dreg:$0x16] =	wrdreg s13;
	s25 =	sadd.s32 $0x110000, s4  }
0x12: {  	s14 =	simm.s32 $0xA;
	s18 =	sadd.s32 s0, s7;
	[dreg:$0x1a] =	wrdreg s25  }
0x13: {  	s8 =	sshrl.u32 s24, $0x3;
	s19 =	sadd.s32 $0x20000, s6;
	[dreg:$0xe] =	wrdreg s18  }
0x14: {  	s10 =	sshrl.u32 s26, $0x3;
	s21 =	sadd.s32 $0x30000, s6;
	[dreg:$0xf] =	wrdreg s19  }
0x15: {  	s24 =	sor.u32 $0x500000, s5;
	s7 =	sadd.s32 s2, s7;
	[dreg:$0x11] =	wrdreg s21  }
0x16: {  	s13 =	simm.s32 $0x9;
	s8 =	sadd.s32 s8, s0;
	[dreg:$0x15] =	wrdreg s7  }
0x17: {  	s11 =	sadd.s32 s10, s0;
	s15 =	sadd.s32 $0x60000, s6;
	[dreg:$0x3] =	wrdreg s8  }
0x18: {  	s23 =	sadd.s32 $0x70000, s6;
	s26 =	sadd.s32 $0x620000, s6;
	[dreg:$0x4] =	wrdreg s11  }
0x19: {  	s25 =	simm.s32 $0x1000;
	s10 =	simm.s32 $0x7;
	[dreg:$0x17] =	wrdreg s15  }
0x1a: {  	s7 =	sshrl.u32 s16, $0x3;
	s18 =	sor.u32 $0xC00000, s5;
	s19 =	sshrl.u32 s17, $0x3  }
0x1b: {  	s21 =	sadd.s32 $0x100000, s4;
	[dreg:$0x19] =	wrdreg s23;
	s5 =	sor.u32 $0xA00000, s5  }
0x1c: {  	[dreg:$0x1b] =	wrdreg s26;
	s23 =	sadd.s32 $0x630000, s6;
	s26 =	simm.s32 $0x20000  }
0x1d: {  	s8 =	simm.s32 $0x14000;
	s11 =	simm.s32 $0x6;
	[dreg:$0x6] =	wrdreg s7  }
0x1e: {  	s15 =	simm.s32 $0xB;
	s16 =	simm.s32 $0xC;
	[dreg:$0x18] =	wrdreg s21  }
0x1f: {  	s17 =	simm.s32 $0x0;
	s20 =	sshrl.u32 s18, $0x3;
	[dreg:$0x7] =	wrdreg s19  }
0x20: {  	s7 =	sshrl.u32 s24, $0x3;
	s5 =	sshrl.u32 s5, $0x3;
	s24 =	smax.u32 s1, $0x1  }
0x21: {  	s1 =	simm.s32 $0xC000;
	s22 =	sadd.s32 s20, s0;
	[dreg:$0x9] =	wrdreg s7  }
0x22: {  	s0 =	sadd.s32 s5, s0;
	s5 =	simm.s32 $0x10000;
	[dreg:$0x8] =	wrdreg s22  }
0x23: {  	s7 =	simm.s32 $0x4;
	[dreg:$0xa] =	wrdreg s0;
	s0 =	simm.s32 $0x3  }
.LBB2_1:
0x24: {  	[tilespmem:s3], [sflag:$0x1] =	stream.strided.gather [hbm4b:s4+s25], $0x4000, s26, s25, $0x38;
	[tilespmem:$0x18000] =	vst v63  }
0x25: {  	s18 =	rddreg [dreg:$0xb]  }
0x26: {  	[tilespmem:s28], [sflag:$0x2] =	stream.strided.gather [hbm4b:s18+s25], $0x4000, s26, s25, $0x38;
	[tilespmem:$0x18000] =	vst v63  }
0x27: {  	_ =	swait.ge [sflag:s29], $0x4000  }
0x28: {  	[sflag:s29] =	ssyncset.done $0x0  }
0x29: {  	[sflag:s29] =	ssyncadd.s32 $0xFFFFC000  }
0x2a: {  	[hbm4b:s6+s25] =	stream.strided.scatter [tilespmem:s3], [sflag:$0x7], $0x4000, s26, s25, $0x38;
	[tilespmem:$0x18000] =	vst v63  }
0x2b: {  	s22 =	rddreg [dreg:$0xc]  }
0x2c: {  	[tilespmem:s30], [sflag:$0x3] =	stream.strided.gather [hbm4b:s22+s25], $0x4000, s26, s25, $0x38;
	[tilespmem:$0x18000] =	vst v63  }
0x2d: {  	_ =	swait.ge [sflag:s31], $0x4000  }
0x2e: {  	[sflag:s31] =	ssyncset.done $0x0  }
0x2f: {  	s19 =	rddreg [dreg:$0xd];
	[sflag:s31] =	ssyncadd.s32 $0xFFFFC000  }
0x30: {  	[hbm4b:s19+s25] =	stream.strided.scatter [tilespmem:s28], [sflag:$0x8], $0x4000, s26, s25, $0x38;
	[tilespmem:$0x18000] =	vst v63  }
0x31: {  	s20 =	rddreg [dreg:$0xe]  }
0x32: {  	[tilespmem:s1], [sflag:$0x4] =	stream.strided.gather [hbm4b:s20+s25], $0x4000, s26, s25, $0x38;
	[tilespmem:$0x18000] =	vst v63  }
0x33: {  	_ =	swait.ge [sflag:s0], $0x4000  }
0x34: {  	[sflag:s0] =	ssyncset.done $0x0  }
0x35: {  	s21 =	rddreg [dreg:$0xf];
	[sflag:s0] =	ssyncadd.s32 $0xFFFFC000  }
0x36: {  	[hbm4b:s21+s25] =	stream.strided.scatter [tilespmem:s30], [sflag:$0x9], $0x4000, s26, s25, $0x38;
	[tilespmem:$0x18000] =	vst v63  }
0x37: {  	s22 =	rddreg [dreg:$0x10]  }
0x38: {  	[tilespmem:s5], [sflag:$0x5] =	stream.strided.gather [hbm4b:s22+s25], $0x4000, s26, s25, $0x38;
	[tilespmem:$0x18000] =	vst v63  }
0x39: {  	_ =	swait.ge [sflag:s7], $0x4000  }
0x3a: {  	[sflag:s7] =	ssyncset.done $0x0  }
0x3b: {  	s19 =	rddreg [dreg:$0x11];
	[sflag:s7] =	ssyncadd.s32 $0xFFFFC000  }
0x3c: {  	[hbm4b:s19+s25] =	stream.strided.scatter [tilespmem:s1], [sflag:$0xA], $0x4000, s26, s25, $0x38;
	[tilespmem:$0x18000] =	vst v63  }
0x3d: {  	s20 =	rddreg [dreg:$0x12]  }
0x3e: {  	[tilespmem:s8], [sflag:$0x6] =	stream.strided.gather [hbm4b:s20+s25], $0x4000, s26, s25, $0x38;
	[tilespmem:$0x18000] =	vst v63  }
0x3f: {  	_ =	swait.ge [sflag:s9], $0x4000  }
0x40: {  	[sflag:s9] =	ssyncset.done $0x0  }
0x41: {  	[sflag:s9] =	ssyncadd.s32 $0xFFFFC000  }
0x42: {  	_ =	swait.ge [sflag:s10], $0x4000  }
0x43: {  	[sflag:s10] =	ssyncset.done $0x0  }
0x44: {  	s21 =	rddreg [dreg:$0x13];
	[sflag:s10] =	ssyncadd.s32 $0xFFFFC000  }
0x45: {  	[hbm4b:s21+s25] =	stream.strided.scatter [tilespmem:s5], [sflag:$0xB], $0x4000, s26, s25, $0x38;
	[tilespmem:$0x18000] =	vst v63  }
0x46: {  	s22 =	rddreg [dreg:$0x14]  }
0x47: {  	[tilespmem:s3], [sflag:$0x1] =	stream.strided.gather [hbm4b:s22+s25], $0x4000, s26, s25, $0x38;
	[tilespmem:$0x18000] =	vst v63  }
0x48: {  	_ =	swait.ge [sflag:s11], $0x4000  }
0x49: {  	[sflag:s11] =	ssyncset.done $0x0  }
0x4a: {  	[sflag:s11] =	ssyncadd.s32 $0xFFFFC000  }
0x4b: {  	_ =	swait.ge [sflag:s12], $0x4000  }
0x4c: {  	[sflag:s12] =	ssyncset.done $0x0  }
0x4d: {  	s19 =	rddreg [dreg:$0x15];
	[sflag:s12] =	ssyncadd.s32 $0xFFFFC000  }
0x4e: {  	[hbm4b:s19+s25] =	stream.strided.scatter [tilespmem:s8], [sflag:$0xC], $0x4000, s26, s25, $0x38;
	[tilespmem:$0x18000] =	vst v63  }
0x4f: {  	s20 =	rddreg [dreg:$0x16]  }
0x50: {  	[tilespmem:s28], [sflag:$0x2] =	stream.strided.gather [hbm4b:s20+s25], $0x4000, s26, s25, $0x38;
	[tilespmem:$0x18000] =	vst v63  }
0x51: {  	_ =	swait.ge [sflag:s29], $0x4000  }
0x52: {  	[sflag:s29] =	ssyncset.done $0x0  }
0x53: {  	[sflag:s29] =	ssyncadd.s32 $0xFFFFC000  }
0x54: {  	_ =	swait.ge [sflag:s13], $0x4000  }
0x55: {  	[sflag:s13] =	ssyncset.done $0x0  }
0x56: {  	s21 =	rddreg [dreg:$0x17];
	[sflag:s13] =	ssyncadd.s32 $0xFFFFC000  }
0x57: {  	[hbm4b:s21+s25] =	stream.strided.scatter [tilespmem:s3], [sflag:$0x7], $0x4000, s26, s25, $0x38;
	[tilespmem:$0x18000] =	vst v63  }
0x58: {  	s22 =	rddreg [dreg:$0x18]  }
0x59: {  	[tilespmem:s30], [sflag:$0x3] =	stream.strided.gather [hbm4b:s22+s25], $0x4000, s26, s25, $0x38;
	[tilespmem:$0x18000] =	vst v63  }
0x5a: {  	_ =	swait.ge [sflag:s31], $0x4000  }
0x5b: {  	[sflag:s31] =	ssyncset.done $0x0  }
0x5c: {  	[sflag:s31] =	ssyncadd.s32 $0xFFFFC000  }
0x5d: {  	_ =	swait.ge [sflag:s14], $0x4000  }
0x5e: {  	[sflag:s14] =	ssyncset.done $0x0  }
0x5f: {  	s19 =	rddreg [dreg:$0x19];
	[sflag:s14] =	ssyncadd.s32 $0xFFFFC000  }
0x60: {  	[hbm4b:s19+s25] =	stream.strided.scatter [tilespmem:s28], [sflag:$0x8], $0x4000, s26, s25, $0x38;
	[tilespmem:$0x18000] =	vst v63  }
0x61: {  	s20 =	rddreg [dreg:$0x1a]  }
0x62: {  	[tilespmem:s1], [sflag:$0x4] =	stream.strided.gather [hbm4b:s20+s25], $0x4000, s26, s25, $0x38;
	[tilespmem:$0x18000] =	vst v63  }
0x63: {  	_ =	swait.ge [sflag:s0], $0x4000  }
0x64: {  	[sflag:s0] =	ssyncset.done $0x0  }
0x65: {  	[sflag:s0] =	ssyncadd.s32 $0xFFFFC000  }
0x66: {  	_ =	swait.ge [sflag:s15], $0x4000  }
0x67: {  	s21 =	rddreg [dreg:$0x6];
	[sflag:s15] =	ssyncset.done $0x0  }
0x68: {  	s19 =	rddreg [dreg:$0xa];
	[sflag:s15] =	ssyncadd.s32 $0xFFFFC000;
	s18 =	sadd.s32 s2, s21  }
0x69: {  	[hbm4b:s18+s25] =	stream.strided.scatter [tilespmem:s30], [sflag:$0x9], $0x4000, s26, s25, $0x38;
	[tilespmem:$0x18000] =	vst v63  }
0x6a: {  	s22 =	sadd.s32 $0x0, s19  }
0x6b: {  	[tilespmem:s5], [sflag:$0x5] =	stream.strided.gather [hbm4b:s22+s25], $0x4000, s26, s25, $0x38;
	[tilespmem:$0x18000] =	vst v63  }
0x6c: {  	_ =	swait.ge [sflag:s7], $0x4000  }
0x6d: {  	[sflag:s7] =	ssyncset.done $0x0  }
0x6e: {  	[sflag:s7] =	ssyncadd.s32 $0xFFFFC000  }
0x6f: {  	_ =	swait.ge [sflag:s16], $0x4000  }
0x70: {  	s20 =	rddreg [dreg:$0x5];
	[sflag:s16] =	ssyncset.done $0x0  }
0x71: {  	[sflag:s16] =	ssyncadd.s32 $0xFFFFC000;
	s19 =	sadd.s32 s2, s20  }
0x72: {  	[hbm4b:s19+s25] =	stream.strided.scatter [tilespmem:s1], [sflag:$0xA], $0x4000, s26, s25, $0x38;
	[tilespmem:$0x18000] =	vst v63  }
0x73: {  	s18 =	sadd.s32 $0x10000, s22  }
0x74: {  	[tilespmem:s8], [sflag:$0x6] =	stream.strided.gather [hbm4b:s18+s25], $0x4000, s26, s25, $0x38;
	[tilespmem:$0x18000] =	vst v63  }
0x75: {  	_ =	swait.ge [sflag:s9], $0x4000  }
0x76: {  	[sflag:s9] =	ssyncset.done $0x0  }
0x77: {  	[sflag:s9] =	ssyncadd.s32 $0xFFFFC000  }
0x78: {  	_ =	swait.ge [sflag:s10], $0x4000  }
0x79: {  	s21 =	rddreg [dreg:$0x9];
	[sflag:s10] =	ssyncset.done $0x0  }
0x7a: {  	s22 =	rddreg [dreg:$0x8];
	[sflag:s10] =	ssyncadd.s32 $0xFFFFC000;
	s18 =	sadd.s32 s2, s21  }
0x7b: {  	[hbm4b:s18+s25] =	stream.strided.scatter [tilespmem:s5], [sflag:$0xB], $0x4000, s26, s25, $0x38;
	[tilespmem:$0x18000] =	vst v63  }
0x7c: {  	s19 =	sadd.s32 $0x0, s22  }
0x7d: {  	[tilespmem:s3], [sflag:$0x1] =	stream.strided.gather [hbm4b:s19+s25], $0x4000, s26, s25, $0x38;
	[tilespmem:$0x18000] =	vst v63  }
0x7e: {  	_ =	swait.ge [sflag:s11], $0x4000  }
0x7f: {  	[sflag:s11] =	ssyncset.done $0x0  }
0x80: {  	[sflag:s11] =	ssyncadd.s32 $0xFFFFC000  }
0x81: {  	_ =	swait.ge [sflag:s12], $0x4000  }
0x82: {  	[sflag:s12] =	ssyncset.done $0x0  }
0x83: {  	s18 =	sadd.s32 $0x10000, s18;
	[sflag:s12] =	ssyncadd.s32 $0xFFFFC000  }
0x84: {  	[hbm4b:s18+s25] =	stream.strided.scatter [tilespmem:s8], [sflag:$0xC], $0x4000, s26, s25, $0x38;
	[tilespmem:$0x18000] =	vst v63  }
0x85: {  	s19 =	sadd.s32 $0x10000, s19  }
0x86: {  	[tilespmem:s28], [sflag:$0x2] =	stream.strided.gather [hbm4b:s19+s25], $0x4000, s26, s25, $0x38;
	[tilespmem:$0x18000] =	vst v63  }
0x87: {  	_ =	swait.ge [sflag:s29], $0x4000  }
0x88: {  	[sflag:s29] =	ssyncset.done $0x0  }
0x89: {  	[sflag:s29] =	ssyncadd.s32 $0xFFFFC000  }
0x8a: {  	_ =	swait.ge [sflag:s13], $0x4000  }
0x8b: {  	s20 =	rddreg [dreg:$0x7];
	[sflag:s13] =	ssyncset.done $0x0  }
0x8c: {  	s21 =	rddreg [dreg:$0x4];
	[sflag:s13] =	ssyncadd.s32 $0xFFFFC000;
	s18 =	sadd.s32 s2, s20  }
0x8d: {  	[hbm4b:s18+s25] =	stream.strided.scatter [tilespmem:s3], [sflag:$0x7], $0x4000, s26, s25, $0x38;
	[tilespmem:$0x18000] =	vst v63  }
0x8e: {  	s19 =	sadd.s32 $0x0, s21  }
0x8f: {  	[tilespmem:s30], [sflag:$0x3] =	stream.strided.gather [hbm4b:s19+s25], $0x4000, s26, s25, $0x38;
	[tilespmem:$0x18000] =	vst v63  }
0x90: {  	_ =	swait.ge [sflag:s31], $0x4000  }
0x91: {  	[sflag:s31] =	ssyncset.done $0x0  }
0x92: {  	[sflag:s31] =	ssyncadd.s32 $0xFFFFC000  }
0x93: {  	_ =	swait.ge [sflag:s14], $0x4000  }
0x94: {  	[sflag:s14] =	ssyncset.done $0x0  }
0x95: {  	s18 =	sadd.s32 $0x10000, s18;
	s22 =	rddreg [dreg:$0x3];
	[sflag:s14] =	ssyncadd.s32 $0xFFFFC000  }
0x96: {  	[hbm4b:s18+s25] =	stream.strided.scatter [tilespmem:s28], [sflag:$0x8], $0x4000, s26, s25, $0x38;
	[tilespmem:$0x18000] =	vst v63  }
0x97: {  	s19 =	sadd.s32 $0x60000, s2;
	s20 =	sadd.s32 $0x0, s22;
	s18 =	simm.s32 $0xC0000  }
.LBB2_2:
0x98: {  	[tilespmem:s1], [sflag:$0x4] =	stream.strided.gather [hbm4b:s20+s25], $0x4000, s26, s25, $0x38;
	[tilespmem:$0x18000] =	vst v63  }
0x99: {  	_ =	swait.ge [sflag:s0], $0x4000  }
0x9a: {  	[sflag:s0] =	ssyncset.done $0x0  }
0x9b: {  	[sflag:s0] =	ssyncadd.s32 $0xFFFFC000  }
0x9c: {  	_ =	swait.ge [sflag:s15], $0x4000  }
0x9d: {  	s20 =	smov.u32 s18;
	s21 =	rddreg [dreg:$0x6];
	[sflag:s15] =	ssyncset.done $0x0  }
0x9e: {  	s22 =	rddreg [dreg:$0xa];
	[sflag:s15] =	ssyncadd.s32 $0xFFFFC000;
	s21 =	sadd.s32 s19, s21  }
0x9f: {  	[hbm4b:s21+s25] =	stream.strided.scatter [tilespmem:s30], [sflag:$0x9], $0x4000, s26, s25, $0x38;
	[tilespmem:$0x18000] =	vst v63  }
0xa0: {  	s21 =	sadd.s32 s20, s22  }
0xa1: {  	[tilespmem:s5], [sflag:$0x5] =	stream.strided.gather [hbm4b:s21+s25], $0x4000, s26, s25, $0x38;
	[tilespmem:$0x18000] =	vst v63  }
0xa2: {  	_ =	swait.ge [sflag:s7], $0x4000  }
0xa3: {  	[sflag:s7] =	ssyncset.done $0x0  }
0xa4: {  	[sflag:s7] =	ssyncadd.s32 $0xFFFFC000  }
0xa5: {  	_ =	swait.ge [sflag:s16], $0x4000  }
0xa6: {  	s22 =	rddreg [dreg:$0x5];
	[sflag:s16] =	ssyncset.done $0x0  }
0xa7: {  	[sflag:s16] =	ssyncadd.s32 $0xFFFFC000;
	s22 =	sadd.s32 s19, s22  }
0xa8: {  	[hbm4b:s22+s25] =	stream.strided.scatter [tilespmem:s1], [sflag:$0xA], $0x4000, s26, s25, $0x38;
	[tilespmem:$0x18000] =	vst v63  }
0xa9: {  	s21 =	sadd.s32 $0x10000, s21  }
0xaa: {  	[tilespmem:s8], [sflag:$0x6] =	stream.strided.gather [hbm4b:s21+s25], $0x4000, s26, s25, $0x38;
	[tilespmem:$0x18000] =	vst v63  }
0xab: {  	_ =	swait.ge [sflag:s9], $0x4000  }
0xac: {  	[sflag:s9] =	ssyncset.done $0x0  }
0xad: {  	[sflag:s9] =	ssyncadd.s32 $0xFFFFC000  }
0xae: {  	_ =	swait.ge [sflag:s10], $0x4000  }
0xaf: {  	s21 =	rddreg [dreg:$0x9];
	[sflag:s10] =	ssyncset.done $0x0  }
0xb0: {  	s22 =	rddreg [dreg:$0x8];
	[sflag:s10] =	ssyncadd.s32 $0xFFFFC000;
	s21 =	sadd.s32 s19, s21  }
0xb1: {  	[hbm4b:s21+s25] =	stream.strided.scatter [tilespmem:s5], [sflag:$0xB], $0x4000, s26, s25, $0x38;
	[tilespmem:$0x18000] =	vst v63  }
0xb2: {  	s22 =	sadd.s32 s20, s22  }
0xb3: {  	[tilespmem:s3], [sflag:$0x1] =	stream.strided.gather [hbm4b:s22+s25], $0x4000, s26, s25, $0x38;
	[tilespmem:$0x18000] =	vst v63  }
0xb4: {  	_ =	swait.ge [sflag:s11], $0x4000  }
0xb5: {  	[sflag:s11] =	ssyncset.done $0x0  }
0xb6: {  	[sflag:s11] =	ssyncadd.s32 $0xFFFFC000  }
0xb7: {  	_ =	swait.ge [sflag:s12], $0x4000  }
0xb8: {  	[sflag:s12] =	ssyncset.done $0x0  }
0xb9: {  	s21 =	sadd.s32 $0x10000, s21;
	[sflag:s12] =	ssyncadd.s32 $0xFFFFC000  }
0xba: {  	[hbm4b:s21+s25] =	stream.strided.scatter [tilespmem:s8], [sflag:$0xC], $0x4000, s26, s25, $0x38;
	[tilespmem:$0x18000] =	vst v63  }
0xbb: {  	s22 =	sadd.s32 $0x10000, s22  }
0xbc: {  	[tilespmem:s28], [sflag:$0x2] =	stream.strided.gather [hbm4b:s22+s25], $0x4000, s26, s25, $0x38;
	[tilespmem:$0x18000] =	vst v63  }
0xbd: {  	_ =	swait.ge [sflag:s29], $0x4000  }
0xbe: {  	[sflag:s29] =	ssyncset.done $0x0  }
0xbf: {  	[sflag:s29] =	ssyncadd.s32 $0xFFFFC000  }
0xc0: {  	_ =	swait.ge [sflag:s13], $0x4000  }
0xc1: {  	s21 =	rddreg [dreg:$0x7];
	[sflag:s13] =	ssyncset.done $0x0  }
0xc2: {  	s22 =	rddreg [dreg:$0x4];
	[sflag:s13] =	ssyncadd.s32 $0xFFFFC000;
	s21 =	sadd.s32 s19, s21  }
0xc3: {  	[hbm4b:s21+s25] =	stream.strided.scatter [tilespmem:s3], [sflag:$0x7], $0x4000, s26, s25, $0x38;
	[tilespmem:$0x18000] =	vst v63  }
0xc4: {  	s22 =	sadd.s32 s20, s22  }
0xc5: {  	[tilespmem:s30], [sflag:$0x3] =	stream.strided.gather [hbm4b:s22+s25], $0x4000, s26, s25, $0x38;
	[tilespmem:$0x18000] =	vst v63  }
0xc6: {  	_ =	swait.ge [sflag:s31], $0x4000  }
0xc7: {  	p0 =	sne.s32 s18, $0xA80000;
	[sflag:s31] =	ssyncset.done $0x0  }
.Ltmp0:
0xc8: {  	[sflag:s31] =	ssyncadd.s32 $0xFFFFC000;
	(pc) =	sbr.rel @p0 .LBB2_2-.Ltmp0, $4  }
0xc9: {  	s18 =	sadd.s32 $0xC0000, s18;
	_ =	swait.ge [sflag:s14], $0x4000  }
0xca: {  	s19 =	sadd.s32 $0x60000, s19;
	[sflag:s14] =	ssyncset.done $0x0;
	s22 =	rddreg [dreg:$0x3]  }
0xcb: {  	s21 =	sadd.s32 $0x10000, s21;
	[sflag:s14] =	ssyncadd.s32 $0xFFFFC000;
	s20 =	sadd.s32 s20, s22  }
0xcc: {  	[hbm4b:s21+s25] =	stream.strided.scatter [tilespmem:s28], [sflag:$0x8], $0x4000, s26, s25, $0x38;
	[tilespmem:$0x18000] =	vst v63  }
0xcd: {  	[tilespmem:s1], [sflag:$0x4] =	stream.strided.gather [hbm4b:s20+s25], $0x4000, s26, s25, $0x38;
	[tilespmem:$0x18000] =	vst v63  }
0xce: {  	_ =	swait.ge [sflag:s0], $0x4000  }
0xcf: {  	[sflag:s0] =	ssyncset.done $0x0  }
0xd0: {  	[sflag:s0] =	ssyncadd.s32 $0xFFFFC000  }
0xd1: {  	_ =	swait.ge [sflag:s15], $0x4000  }
0xd2: {  	[sflag:s15] =	ssyncset.done $0x0  }
0xd3: {  	s18 =	rddreg [dreg:$0x1b];
	[sflag:s15] =	ssyncadd.s32 $0xFFFFC000  }
0xd4: {  	[hbm4b:s18+s25] =	stream.strided.scatter [tilespmem:s30], [sflag:$0x9], $0x4000, s26, s25, $0x38;
	[tilespmem:$0x18000] =	vst v63  }
0xd5: {  	_ =	swait.ge [sflag:s7], $0x4000  }
0xd6: {  	[sflag:s7] =	ssyncset.done $0x0  }
0xd7: {  	[sflag:s7] =	ssyncadd.s32 $0xFFFFC000  }
0xd8: {  	_ =	swait.ge [sflag:s16], $0x4000  }
0xd9: {  	[sflag:s16] =	ssyncset.done $0x0  }
0xda: {  	[sflag:s16] =	ssyncadd.s32 $0xFFFFC000  }
0xdb: {  	[hbm4b:s23+s25] =	stream.strided.scatter [tilespmem:s1], [sflag:$0xA], $0x4000, s26, s25, $0x38;
	[tilespmem:$0x18000] =	vst v63  }
0xdc: {  	_ =	swait.ge [sflag:s10], $0x4000  }
0xdd: {  	[sflag:s10] =	ssyncset.done $0x0  }
0xde: {  	[sflag:s10] =	ssyncadd.s32 $0xFFFFC000  }
0xdf: {  	_ =	swait.ge [sflag:s12], $0x4000  }
0xe0: {  	[sflag:s12] =	ssyncset.done $0x0  }
0xe1: {  	s17 =	sadd.s32 $0x1, s17;
	[sflag:s12] =	ssyncadd.s32 $0xFFFFC000  }
0xe2: {  	p0 =	sne.s32 s17, s24;
	_ =	swait.ge [sflag:s13], $0x4000  }
.Ltmp1:
0xe3: {  	[sflag:s13] =	ssyncset.done $0x0;
	(pc) =	sbr.rel @p0 .LBB2_1-.Ltmp1, $4  }
0xe4: {  	[sflag:s13] =	ssyncadd.s32 $0xFFFFC000  }
0xe5: {  	_ =	swait.ge [sflag:s14], $0x4000  }
0xe6: {  	[sflag:s14] =	ssyncset.done $0x0  }
0xe7: {  	[sflag:s14] =	ssyncadd.s32 $0xFFFFC000  }
0xe8: {  	_ =	sfence.sel $0x180000  }
0xe9: {  	[bflag:$0x0] =	sbarrier.arrive $0xFFFF  }
0xea: {  	_ =	strace $0x90000047  }
0xeb: {  	s0 =	stileid.u32;
	[bflag:$0x2] =	sbarrier.arrive $0xFFFF  }
0xec: {  	p0 =	sne.s32 s0, $0x0;
	s0 =	rddreg [dreg:$0x2]  }
0xed: {  	s0 =	sadd.s32 @!p0 $0x100000, s0  }
0xee: {  	[sflag:s0] =	ssyncadd.tile.s32 @!p0 $0x1;
	_ =	shalt  }
.Lfunc_end2:
_tile_overlayer_lowered:
.L_overlay_start_2:
0xef: {  	(tag) =	ssettag $0x2  }
0xf0: {  	s0 =	rddreg [dreg:$0x0];
	s2 =	stileid.u32  }
0xf1: {  	s1 =	rddreg [dreg:$0x1];
	p0 =	sne.s32 s2, $0x0  }
0xf2: {  	s3 =	rddreg [dreg:$0x2];
	[bflag:$0x3] =	sbarrier.arrive $0xFFFF;
	s2 =	simm.s32 @!p0 $0x1C0D  }
0xf3: {  	[timem:s3], [sflag:s2] =	dma.local @!p0 [hbm:s0], s1  }
0xf4: {  	s0 =	simm.s32 @!p0 $0xD  }
0xf5: {  	_ =	swait.ge @!p0 [sflag:s0], s1  }
0xf6: {  	s1 =	ssub.s32 @!p0 $0x0, s1;
	[sflag:s0] =	ssyncset.done @!p0 $0x0  }
0xf7: {  	[sflag:s0] =	ssyncadd.s32 @!p0 s1  }
0xf8: {  	[bflag:$0x3] =	sbarrier.arrive $0xFFFF  }
0xf9: {  	_ =	shalt  }

</sc_bundles>
